<compile_context>
chip_gen: v7x
topology: tpu7x:2x2x1
jax: 0.10.2.dev20260603
libtpu: 0.0.44.dev20260713+nightly
codegen_flags: <defaults>
</compile_context>

<pallas_src>
import functools

import jax
import jax.numpy as jnp
from jax import lax
from jax.experimental import pallas as pl
from jax.experimental.pallas import tpu as pltpu
from jax.experimental.pallas import tpu_sc as plsc

N = 10000
E = 160000
M = 256
C = 128
NEG_SLOPE = 0.2


_HALF_ROWS = N // 2
_HALF_WORDS = _HALF_ROWS * M
_DUMMY = _HALF_WORDS
_EPC = E // 16
_NGRP = _EPC // 16
_NROW = 80
_ZW = 16000


def _build_h_body(idx_n_hbm, idx_e_hbm, zeros_hbm, h_hbm, idx_n_v, idx_e_v,
                  fidx, ones_v, h_half, dsem, zsem):
    cid = lax.axis_index("c")
    sid = lax.axis_index("s")
    n0 = cid * _HALF_ROWS

    base_e = sid * _EPC
    cp_n = pltpu.async_copy(idx_n_hbm.at[pl.ds(base_e, _EPC)],
                            idx_n_v.at[pl.ds(0, _EPC)], zsem)
    cp_e = pltpu.async_copy(idx_e_hbm.at[pl.ds(base_e, _EPC)],
                            idx_e_v.at[pl.ds(0, _EPC)], zsem)

    for j in range(8):
        ones_v[pl.ds(j * 16, 16)] = jnp.ones((16,), jnp.float32)

    zbase = sid * (_HALF_WORDS // 16)
    zcp = pltpu.async_copy(zeros_hbm.at[pl.ds(zbase, _HALF_WORDS // 16)],
                           h_half.at[pl.ds(zbase, _HALF_WORDS // 16)], dsem)

    cp_n.wait()
    cp_e.wait()
    for j in range(15):
        idx_n_v[pl.ds(_EPC + j * 16, 16)] = jnp.full((16,), -1, jnp.int32)

    lane = lax.iota(jnp.int32, 16)

    def _fx(r, _):
        for q in range(8):
            i = r * 8 + q
            n = idx_n_v[pl.ds(i * 16, 16)]
            m = idx_e_v[pl.ds(i * 16, 16)]
            in_half = (n >= n0) & (n < n0 + _HALF_ROWS)
            dummy = _DUMMY + ((i * 16 + lane) & 2047)
            f = jnp.where(in_half, (n - n0) * M + m, dummy)
            fidx[r, pl.ds(q * 16, 16)] = f
        return 0
    lax.fori_loop(0, _NROW, _fx, 0)

    zcp.wait()

    plsc.subcore_barrier()

    def _fire(j, _):
        pltpu.async_copy(ones_v, h_half.at[fidx.at[j]], dsem, add=True)
        return 0
    lax.fori_loop(0, _NROW, _fire, 0)

    def _drain(j, _):
        pltpu.make_async_copy(ones_v, h_half.at[fidx.at[j]], dsem).wait()
        return 0
    lax.fori_loop(0, _NROW, _drain, 0)

    plsc.subcore_barrier()

    out_base = cid * _HALF_WORDS + sid * (_HALF_WORDS // 16)
    pltpu.sync_copy(h_half.at[pl.ds(sid * (_HALF_WORDS // 16),
                                    _HALF_WORDS // 16)],
                    h_hbm.at[pl.ds(out_base, _HALF_WORDS // 16)])


def _build_h(idx_n, idx_e):
    mesh = plsc.VectorSubcoreMesh(core_axis_name="c", subcore_axis_name="s")
    zeros_hbm = jnp.zeros((_HALF_WORDS,), jnp.float32)
    return pl.kernel(
        _build_h_body,
        out_type=jax.ShapeDtypeStruct((N * M,), jnp.float32),
        mesh=mesh,
        scratch_types=[
            pltpu.VMEM((_EPC + 240,), jnp.int32),
            pltpu.VMEM((_EPC + 240,), jnp.int32),
            pltpu.VMEM((_NROW, 128), jnp.int32),
            pltpu.VMEM((128,), jnp.float32),
            pltpu.VMEM_SHARED((_HALF_WORDS + 2048,), jnp.float32),
            pltpu.SemaphoreType.DMA,
            pltpu.SemaphoreType.DMA,
        ],
    )(idx_n, idx_e, zeros_hbm)



_NB = 2000
_GN = N // _NB
_KB = 32
_GK = M // _KB


def _tc1_body(x_ref, w_ref, h_ref, xw_ref, d_ref, es_ref, bdeg_ref, du_ref):
    i = pl.program_id(0)
    xw = jnp.dot(x_ref[0], w_ref[...], preferred_element_type=jnp.float32)
    xw_ref[...] = xw
    h = h_ref[...]
    dcol = jnp.sum(h, axis=1, keepdims=True)
    d_ref[...] = dcol
    es_p = lax.dot_general(h, xw, (((0,), (0,)), ((), ())),
                           preferred_element_type=jnp.float32,
                           precision=lax.Precision.HIGHEST)
    bdeg_p = jnp.sum(h, axis=0, keepdims=True)
    u = jnp.sum(xw, axis=1, keepdims=True)
    du_p = jnp.reshape(jnp.sum(dcol * u), (1, 1))

    @pl.when(i == 0)
    def _init():
        es_ref[...] = es_p
        bdeg_ref[...] = bdeg_p
        du_ref[...] = du_p

    @pl.when(i > 0)
    def _acc():
        es_ref[...] += es_p
        bdeg_ref[...] += bdeg_p
        du_ref[...] += du_p


def _tc1(x3d, weight, h2d):
    return pl.pallas_call(
        _tc1_body,
        grid=(_GN,),
        in_specs=[
            pl.BlockSpec((1, _NB, C), lambda i: (0, i, 0)),
            pl.BlockSpec((C, C), lambda i: (0, 0)),
            pl.BlockSpec((_NB, M), lambda i: (i, 0)),
        ],
        out_specs=[
            pl.BlockSpec((_NB, C), lambda i: (i, 0)),
            pl.BlockSpec((_NB, 1), lambda i: (i, 0)),
            pl.BlockSpec((M, C), lambda i: (0, 0)),
            pl.BlockSpec((1, M), lambda i: (0, 0)),
            pl.BlockSpec((1, 1), lambda i: (0, 0)),
        ],
        out_shape=[
            jax.ShapeDtypeStruct((N, C), jnp.float32),
            jax.ShapeDtypeStruct((N, 1), jnp.float32),
            jax.ShapeDtypeStruct((M, C), jnp.float32),
            jax.ShapeDtypeStruct((1, M), jnp.float32),
            jax.ShapeDtypeStruct((1, 1), jnp.float32),
        ],
    )(x3d, weight, h2d)


def _tc3_body(h_ref, xw_ref, es_ref, a1_ref, a2_ref, a_out_ref, ax_ref):
    i = pl.program_id(0)
    h = h_ref[...]
    xw = xw_ref[...]
    s_col = jnp.sum(xw * a1_ref[...], axis=1, keepdims=True)
    t_row = jnp.sum(es_ref[...] * a2_ref[...], axis=1)[None, :]
    r = s_col + t_row
    r = jnp.where(r >= 0, r, NEG_SLOPE * r)
    mask = h > 0
    rm = jnp.where(mask, r, -jnp.inf)
    nmax = jnp.max(rm, axis=1, keepdims=True)
    nmax = jnp.where(nmax > -3e38, nmax, 0.0)
    ex = jnp.where(mask, jnp.exp(r - nmax), 0.0)
    nsum = jnp.sum(h * ex, axis=1, keepdims=True)
    a = h * ex / (nsum + 1e-16)
    a_out_ref[...] = a
    ax_p = lax.dot_general(a, xw, (((0,), (0,)), ((), ())),
                           preferred_element_type=jnp.float32,
                           precision=lax.Precision.HIGHEST)

    @pl.when(i == 0)
    def _init():
        ax_ref[...] = ax_p

    @pl.when(i > 0)
    def _acc():
        ax_ref[...] += ax_p


def _tc3(h2d, xw, es, a1, a2):
    return pl.pallas_call(
        _tc3_body,
        grid=(_GN,),
        in_specs=[
            pl.BlockSpec((_NB, M), lambda i: (i, 0)),
            pl.BlockSpec((_NB, C), lambda i: (i, 0)),
            pl.BlockSpec((M, C), lambda i: (0, 0)),
            pl.BlockSpec((1, C), lambda i: (0, 0)),
            pl.BlockSpec((1, C), lambda i: (0, 0)),
        ],
        out_specs=[
            pl.BlockSpec((_NB, M), lambda i: (i, 0)),
            pl.BlockSpec((M, C), lambda i: (0, 0)),
        ],
        out_shape=[
            jax.ShapeDtypeStruct((N, M), jnp.float32),
            jax.ShapeDtypeStruct((M, C), jnp.float32),
        ],
    )(h2d, xw, es, a1, a2)


def _tc4_body(a_ref, ax_ref, bdeg_ref, d_ref, es_ref, esk_ref, out_ref,
              loss_ref, bv_ref):
    i = pl.program_id(0)
    bdeg = bdeg_ref[...]
    bn_row = jnp.where(bdeg > 0, 1.0 / bdeg, 0.0)
    a_scaled = a_ref[...] * bn_row
    o = jnp.dot(a_scaled, ax_ref[...], preferred_element_type=jnp.float32,
                precision=lax.Precision.HIGHEST)
    out_ref[0] = d_ref[...] * o

    es = es_ref[...]
    sq_row = jnp.sum(es * es, axis=1)[None, :]
    nq_row = jnp.sqrt(sq_row)
    esk = esk_ref[...]
    inner = lax.dot_general(esk, es, (((1,), (1,)), ((), ())),
                            preferred_element_type=jnp.float32,
                            precision=lax.Precision.HIGHEST)
    sq_col = jnp.sum(esk * esk, axis=1, keepdims=True)
    ssq = jnp.maximum(sq_col + sq_row - 2.0 * inner, 0.0)
    dist = jnp.sqrt(ssq + 1e-12)
    alpha = inner / (jnp.sqrt(sq_col) * nq_row)
    item = alpha * dist + (1.0 - alpha) * jnp.maximum(4.2 - dist, 0.0)
    loss_p = jnp.reshape(jnp.sum(jnp.abs(item)), (1, 1))

    @pl.when(i == 0)
    def _init():
        loss_ref[...] = loss_p
        v = jnp.sum(es, axis=1)[None, :]
        bv_ref[...] = jnp.reshape(jnp.sum(bdeg * v), (1, 1))

    @pl.when((i > 0) & (i < 4))
    def _acc():
        loss_ref[...] += loss_p


def _tc4(a_mat, ax, bdeg, d_col, es):
    return pl.pallas_call(
        _tc4_body,
        grid=(_GN,),
        in_specs=[
            pl.BlockSpec((_NB, M), lambda i: (i, 0)),
            pl.BlockSpec((M, C), lambda i: (0, 0)),
            pl.BlockSpec((1, M), lambda i: (0, 0)),
            pl.BlockSpec((_NB, 1), lambda i: (i, 0)),
            pl.BlockSpec((M, C), lambda i: (0, 0)),
            pl.BlockSpec((64, C), lambda i: (jnp.minimum(i, 3), 0)),
        ],
        out_specs=[
            pl.BlockSpec((1, _NB, C), lambda i: (0, i, 0)),
            pl.BlockSpec((1, 1), lambda i: (0, 0)),
            pl.BlockSpec((1, 1), lambda i: (0, 0)),
        ],
        out_shape=[
            jax.ShapeDtypeStruct((1, N, C), jnp.float32),
            jax.ShapeDtypeStruct((1, 1), jnp.float32),
            jax.ShapeDtypeStruct((1, 1), jnp.float32),
        ],
    )(a_mat, ax, bdeg, d_col, es, es)



def kernel(x, hyperedge_index, weight, att):
    idx_n = hyperedge_index[0]
    idx_e = hyperedge_index[1]
    a1 = att[0, :, :C].reshape(1, C)
    a2 = att[0, :, C:].reshape(1, C)

    h_flat = _build_h(idx_n, idx_e)
    h2d = h_flat.reshape(N, M)

    xw, d_col, es, bdeg, du = _tc1(x, weight, h2d)
    a_mat, ax = _tc3(h2d, xw, es, a1, a2)
    out, loss, bv = _tc4(a_mat, ax, bdeg, d_col, es)

    constrain = (jnp.abs((du[0, 0] - bv[0, 0]) / float(E * C))
                 + loss[0, 0] / float((M + 1) ** 2))
    return out, constrain

# --- scband reference (transcript-rebuilt; emitter-appended) ---
"""Pipeline reference for scband-model-24429773980161 (READ-ONLY COPY).

The authoritative reference and input builder live on the scoring server;
editing this copy changes nothing except your own understanding.
"""

import jax, jax.numpy as jnp
import numpy as np

N = 10000
E = 160000
M = 256
B = 1
IN_C = 128
OUT_C = 128
HEADS = 1
NEG_SLOPE = 0.2

def setup_inputs(seed: int = 0):
    key = jax.random.key(seed)
    k1, k2, k3, k4, k5 = jax.random.split(key, 5)
    x = jax.random.normal(k1, (B, N, IN_C), dtype=jnp.float32)
    row0 = jax.random.randint(k2, (E,), 0, N, dtype=jnp.int32)
    base = jnp.arange(M, dtype=jnp.int32)
    rest = jax.random.randint(k3, (E - M,), 0, M, dtype=jnp.int32)
    row1 = jnp.sort(jnp.concatenate([base, rest]))
    hyperedge_index = jnp.stack([row0, row1], axis=0)
    limit_w = float(np.sqrt(6.0 / (IN_C + OUT_C)))
    weight = jax.random.uniform(k4, (IN_C, OUT_C), dtype=jnp.float32, minval=-limit_w, maxval=limit_w)
    limit_a = float(np.sqrt(6.0 / (HEADS + 2 * (OUT_C // HEADS))))
    att = jax.random.uniform(k5, (1, HEADS, 2 * (OUT_C // HEADS)), dtype=jnp.float32, minval=-limit_a, maxval=limit_a)
    return {"x": x, "hyperedge_index": hyperedge_index, "weight": weight, "att": att}

def _scatter_softmax(src, index, num_segments):
    smax = jax.ops.segment_max(src, index, num_segments=num_segments)
    smax = jnp.where(jnp.isfinite(smax), smax, 0.0)
    ex = jnp.exp(src - smax[index])
    ssum = jax.ops.segment_sum(ex, index, num_segments=num_segments)
    return ex / (ssum[index] + 1e-16)

def reference(x, hyperedge_index, weight, att):
    idx_n = hyperedge_index[0]
    idx_e = hyperedge_index[1]
    n_nodes = x.shape[1]
    num_edges = M
    xw = jnp.matmul(x, weight)                 # [B, N, C]
    x1 = jnp.transpose(xw, (1, 0, 2))          # [N, B, C]
    x_i = jnp.take(x1, idx_n, axis=0)          # [E, B, C]
    # edge_sums dict loop -> segment-sum of node features per hyperedge (ids sorted, all present)
    edge_sums = jax.ops.segment_sum(x_i, idx_e, num_segments=num_edges)  # [M, B, C]
    x_j = jnp.take(edge_sums, idx_e, axis=0)   # [E, B, C]
    # pairwise hyperedge loss (vectorized form of the O(M^2) python loop)
    inner = jnp.einsum('kbc,mbc->kmb', edge_sums, edge_sums)
    nq = jnp.sqrt(jnp.sum(edge_sums * edge_sums, axis=-1))      # [M, B]
    alpha_km = inner / (nq[:, None, :] * nq[None, :, :])
    diff = edge_sums[:, None, :, :] - edge_sums[None, :, :, :]
    dist = jnp.sqrt(jnp.sum(diff * diff, axis=-1) + 1e-12)      # [M, M, B]
    loss_item = alpha_km * dist + (1.0 - alpha_km) * jnp.maximum(4.2 - dist, 0.0)
    loss_hyper = jnp.sum(jnp.abs(jnp.mean(loss_item, axis=-1)))
    loss_hyper = loss_hyper / float((num_edges + 1) ** 2)
    # attention coefficients
    alpha = jnp.sum(jnp.concatenate([x_i, x_j], axis=-1) * att, axis=-1)  # [E, B]
    alpha = jnp.where(alpha >= 0, alpha, NEG_SLOPE * alpha)               # leaky_relu
    alpha = _scatter_softmax(alpha, idx_n, n_nodes)
    # dropout skipped (eval mode)
    D = jax.ops.segment_sum(jnp.ones_like(idx_n, dtype=x.dtype), idx_n, num_segments=n_nodes)
    Bdeg = jax.ops.segment_sum(jnp.ones_like(idx_e, dtype=x.dtype), idx_e, num_segments=num_edges)
    Bn = jnp.where(Bdeg > 0, 1.0 / Bdeg, 0.0)
    # propagate source_to_target (aggregate onto hyperedge ids; PyG infers dim_size = n_nodes)
    msg1 = alpha[:, :, None] * (Bn[idx_e][:, None, None] * jnp.take(x1, idx_n, axis=0))
    out1 = jax.ops.segment_sum(msg1, idx_e, num_segments=n_nodes)
    # propagate target_to_source (aggregate back onto nodes)
    msg2 = alpha[:, :, None] * (D[idx_n][:, None, None] * jnp.take(out1, idx_e, axis=0))
    out2 = jax.ops.segment_sum(msg2, idx_n, num_segments=n_nodes)
    out = jnp.transpose(out2, (1, 0, 2))       # [B, N, C]
    constrain_total = jnp.abs(jnp.mean(x_i - x_j)) + loss_hyper
    return out, constrain_total

if __name__ == "__main__":
    import jax
    _d = setup_inputs()
    print(jax.jit(kernel)(*tuple(_d.values())))

</pallas_src>

<mosaic_0001>
#map = affine_map<(d0, d1) -> (0)>
module attributes {stable_mosaic.version = 14 : i64} {
  func.func @_build_h_body(%arg0: i32, %arg1: i32, %arg2: memref<160000xi32, #tpu.memory_space<hbm>>, %arg3: memref<160000xi32, #tpu.memory_space<hbm>>, %arg4: memref<1280000xf32, #tpu.memory_space<hbm>>, %arg5: memref<2560000xf32, #tpu.memory_space<hbm>>, %arg6: memref<10240xi32, #tpu.memory_space<vmem>>, %arg7: memref<10240xi32, #tpu.memory_space<vmem>>, %arg8: memref<80x128xi32, #tpu.memory_space<vmem>>, %arg9: memref<128xf32, #tpu.memory_space<vmem>>, %arg10: memref<1282048xf32, #tpu.memory_space<vmem_shared>>, %arg11: memref<!tpu.dma_semaphore, #tpu.memory_space<semaphore_mem>>, %arg12: memref<!tpu.dma_semaphore, #tpu.memory_space<semaphore_mem>>) attributes {dimension_semantics = [#tpu.dimension_semantics<core_parallel>, #tpu.dimension_semantics<subcore_parallel>], iteration_bounds = array<i64: 2, 16>, scalar_prefetch = 0 : i64, scratch_operands = 7 : i64, tpu.core_type = #tpu.core_type<sc_vector_subcore>, window_params = [{transform_indices = #map}, {transform_indices = #map}, {transform_indices = #map}, {transform_indices = #map}]} {
    %mul3A = arith.constant 5000 : i32
    %mul3A_0 = arith.muli %arg0, %mul3A : i32
    %mul3A_1 = arith.constant 10000 : i32
    %mul3A_2 = arith.muli %arg1, %mul3A_1 : i32
    %dma_start3A = arith.constant 0 : i32
    %dma_start3A_3 = tpu.memref_slice %arg6[%dma_start3A] : memref<10240xi32, #tpu.memory_space<vmem>> -> memref<10000xi32, #tpu.memory_space<vmem>>
    %dma_start3A_4 = tpu.memref_slice %arg2[%mul3A_2] : memref<160000xi32, #tpu.memory_space<hbm>> -> memref<10000xi32, #tpu.memory_space<hbm>>
    %dma_start3A_5 = arith.constant 0 : i32
    %dma_start3A_6 = tpu.memref_slice %arg6[%dma_start3A_5] : memref<10240xi32, #tpu.memory_space<vmem>> -> memref<10000xi32, #tpu.memory_space<vmem>>
    %dma_start3A_7 = tpu.memref_slice %arg2[%mul3A_2] : memref<160000xi32, #tpu.memory_space<hbm>> -> memref<10000xi32, #tpu.memory_space<hbm>>
    tpu.enqueue_dma source(%dma_start3A_7 : memref<10000xi32, #tpu.memory_space<hbm>>) target(%dma_start3A_6 : memref<10000xi32, #tpu.memory_space<vmem>>) target_semaphore(%arg12 : memref<!tpu.dma_semaphore, #tpu.memory_space<semaphore_mem>>)
    %dma_start3A_8 = arith.constant 0 : i32
    %dma_start3A_9 = tpu.memref_slice %arg7[%dma_start3A_8] : memref<10240xi32, #tpu.memory_space<vmem>> -> memref<10000xi32, #tpu.memory_space<vmem>>
    %dma_start3A_10 = tpu.memref_slice %arg3[%mul3A_2] : memref<160000xi32, #tpu.memory_space<hbm>> -> memref<10000xi32, #tpu.memory_space<hbm>>
    %dma_start3A_11 = arith.constant 0 : i32
    %dma_start3A_12 = tpu.memref_slice %arg7[%dma_start3A_11] : memref<10240xi32, #tpu.memory_space<vmem>> -> memref<10000xi32, #tpu.memory_space<vmem>>
    %dma_start3A_13 = tpu.memref_slice %arg3[%mul3A_2] : memref<160000xi32, #tpu.memory_space<hbm>> -> memref<10000xi32, #tpu.memory_space<hbm>>
    tpu.enqueue_dma source(%dma_start3A_13 : memref<10000xi32, #tpu.memory_space<hbm>>) target(%dma_start3A_12 : memref<10000xi32, #tpu.memory_space<vmem>>) target_semaphore(%arg12 : memref<!tpu.dma_semaphore, #tpu.memory_space<semaphore_mem>>)
    %broadcast_in_dim3A = arith.constant 1.000000e+00 : f32
    %broadcast_in_dim3A_14 = vector.broadcast %broadcast_in_dim3A : f32 to vector<16xf32>
    %swap3A = arith.constant 0 : index
    %swap3A_15 = tpu.vector_load %arg9[%swap3A] {strides = array<i32>} : memref<128xf32, #tpu.memory_space<vmem>>, vector<16xf32>,
    %swap3A_16 = vector.shape_cast %swap3A_15 : vector<16xf32> to vector<16xf32>
    %swap3A_17 = vector.shape_cast %broadcast_in_dim3A_14 : vector<16xf32> to vector<16xf32>
    tpu.vector_store %arg9[%swap3A], %swap3A_17 {strides = array<i32>} : memref<128xf32, #tpu.memory_space<vmem>>, vector<16xf32>,
    %broadcast_in_dim3A_18 = arith.constant 1.000000e+00 : f32
    %broadcast_in_dim3A_19 = vector.broadcast %broadcast_in_dim3A_18 : f32 to vector<16xf32>
    %swap3A_20 = arith.constant 16 : index
    %swap3A_21 = tpu.vector_load %arg9[%swap3A_20] {strides = array<i32>} : memref<128xf32, #tpu.memory_space<vmem>>, vector<16xf32>,
    %swap3A_22 = vector.shape_cast %swap3A_21 : vector<16xf32> to vector<16xf32>
    %swap3A_23 = vector.shape_cast %broadcast_in_dim3A_19 : vector<16xf32> to vector<16xf32>
    tpu.vector_store %arg9[%swap3A_20], %swap3A_23 {strides = array<i32>} : memref<128xf32, #tpu.memory_space<vmem>>, vector<16xf32>,
    %broadcast_in_dim3A_24 = arith.constant 1.000000e+00 : f32
    %broadcast_in_dim3A_25 = vector.broadcast %broadcast_in_dim3A_24 : f32 to vector<16xf32>
    %swap3A_26 = arith.constant 32 : index
    %swap3A_27 = tpu.vector_load %arg9[%swap3A_26] {strides = array<i32>} : memref<128xf32, #tpu.memory_space<vmem>>, vector<16xf32>,
    %swap3A_28 = vector.shape_cast %swap3A_27 : vector<16xf32> to vector<16xf32>
    %swap3A_29 = vector.shape_cast %broadcast_in_dim3A_25 : vector<16xf32> to vector<16xf32>
    tpu.vector_store %arg9[%swap3A_26], %swap3A_29 {strides = array<i32>} : memref<128xf32, #tpu.memory_space<vmem>>, vector<16xf32>,
    %broadcast_in_dim3A_30 = arith.constant 1.000000e+00 : f32
    %broadcast_in_dim3A_31 = vector.broadcast %broadcast_in_dim3A_30 : f32 to vector<16xf32>
    %swap3A_32 = arith.constant 48 : index
    %swap3A_33 = tpu.vector_load %arg9[%swap3A_32] {strides = array<i32>} : memref<128xf32, #tpu.memory_space<vmem>>, vector<16xf32>,
    %swap3A_34 = vector.shape_cast %swap3A_33 : vector<16xf32> to vector<16xf32>
    %swap3A_35 = vector.shape_cast %broadcast_in_dim3A_31 : vector<16xf32> to vector<16xf32>
    tpu.vector_store %arg9[%swap3A_32], %swap3A_35 {strides = array<i32>} : memref<128xf32, #tpu.memory_space<vmem>>, vector<16xf32>,
    %broadcast_in_dim3A_36 = arith.constant 1.000000e+00 : f32
    %broadcast_in_dim3A_37 = vector.broadcast %broadcast_in_dim3A_36 : f32 to vector<16xf32>
    %swap3A_38 = arith.constant 64 : index
    %swap3A_39 = tpu.vector_load %arg9[%swap3A_38] {strides = array<i32>} : memref<128xf32, #tpu.memory_space<vmem>>, vector<16xf32>,
    %swap3A_40 = vector.shape_cast %swap3A_39 : vector<16xf32> to vector<16xf32>
    %swap3A_41 = vector.shape_cast %broadcast_in_dim3A_37 : vector<16xf32> to vector<16xf32>
    tpu.vector_store %arg9[%swap3A_38], %swap3A_41 {strides = array<i32>} : memref<128xf32, #tpu.memory_space<vmem>>, vector<16xf32>,
    %broadcast_in_dim3A_42 = arith.constant 1.000000e+00 : f32
    %broadcast_in_dim3A_43 = vector.broadcast %broadcast_in_dim3A_42 : f32 to vector<16xf32>
    %swap3A_44 = arith.constant 80 : index
    %swap3A_45 = tpu.vector_load %arg9[%swap3A_44] {strides = array<i32>} : memref<128xf32, #tpu.memory_space<vmem>>, vector<16xf32>,
    %swap3A_46 = vector.shape_cast %swap3A_45 : vector<16xf32> to vector<16xf32>
    %swap3A_47 = vector.shape_cast %broadcast_in_dim3A_43 : vector<16xf32> to vector<16xf32>
    tpu.vector_store %arg9[%swap3A_44], %swap3A_47 {strides = array<i32>} : memref<128xf32, #tpu.memory_space<vmem>>, vector<16xf32>,
    %broadcast_in_dim3A_48 = arith.constant 1.000000e+00 : f32
    %broadcast_in_dim3A_49 = vector.broadcast %broadcast_in_dim3A_48 : f32 to vector<16xf32>
    %swap3A_50 = arith.constant 96 : index
    %swap3A_51 = tpu.vector_load %arg9[%swap3A_50] {strides = array<i32>} : memref<128xf32, #tpu.memory_space<vmem>>, vector<16xf32>,
    %swap3A_52 = vector.shape_cast %swap3A_51 : vector<16xf32> to vector<16xf32>
    %swap3A_53 = vector.shape_cast %broadcast_in_dim3A_49 : vector<16xf32> to vector<16xf32>
    tpu.vector_store %arg9[%swap3A_50], %swap3A_53 {strides = array<i32>} : memref<128xf32, #tpu.memory_space<vmem>>, vector<16xf32>,
    %broadcast_in_dim3A_54 = arith.constant 1.000000e+00 : f32
    %broadcast_in_dim3A_55 = vector.broadcast %broadcast_in_dim3A_54 : f32 to vector<16xf32>
    %swap3A_56 = arith.constant 112 : index
    %swap3A_57 = tpu.vector_load %arg9[%swap3A_56] {strides = array<i32>} : memref<128xf32, #tpu.memory_space<vmem>>, vector<16xf32>,
    %swap3A_58 = vector.shape_cast %swap3A_57 : vector<16xf32> to vector<16xf32>
    %swap3A_59 = vector.shape_cast %broadcast_in_dim3A_55 : vector<16xf32> to vector<16xf32>
    tpu.vector_store %arg9[%swap3A_56], %swap3A_59 {strides = array<i32>} : memref<128xf32, #tpu.memory_space<vmem>>, vector<16xf32>,
    %mul3A_60 = arith.constant 80000 : i32
    %mul3A_61 = arith.muli %arg1, %mul3A_60 : i32
    %dma_start3A_62 = tpu.memref_slice %arg10[%mul3A_61] : memref<1282048xf32, #tpu.memory_space<vmem_shared>> -> memref<80000xf32, #tpu.memory_space<vmem_shared>>
    %dma_start3A_63 = tpu.memref_slice %arg4[%mul3A_61] : memref<1280000xf32, #tpu.memory_space<hbm>> -> memref<80000xf32, #tpu.memory_space<hbm>>
    tpu.enqueue_dma source(%dma_start3A_63 : memref<80000xf32, #tpu.memory_space<hbm>>) target(%dma_start3A_62 : memref<80000xf32, #tpu.memory_space<vmem_shared>>) target_semaphore(%arg11 : memref<!tpu.dma_semaphore, #tpu.memory_space<semaphore_mem>>)
    %dma_wait3A = arith.constant 0 : i32
    %dma_wait3A_64 = tpu.memref_slice %arg6[%dma_wait3A] : memref<10240xi32, #tpu.memory_space<vmem>> -> memref<10000xi32, #tpu.memory_space<vmem>>
    %dma_wait3A_65 = tpu.memref_slice %arg2[%mul3A_2] : memref<160000xi32, #tpu.memory_space<hbm>> -> memref<10000xi32, #tpu.memory_space<hbm>>
    %dma_wait3A_66 = arith.constant 0 : i32
    %dma_wait3A_67 = tpu.memref_slice %arg6[%dma_wait3A_66] : memref<10240xi32, #tpu.memory_space<vmem>> -> memref<10000xi32, #tpu.memory_space<vmem>>
    %dma_wait3A_68 = tpu.memref_slice %arg2[%mul3A_2] : memref<160000xi32, #tpu.memory_space<hbm>> -> memref<10000xi32, #tpu.memory_space<hbm>>
    tpu.wait_dma2 semaphore(%arg12 : memref<!tpu.dma_semaphore, #tpu.memory_space<semaphore_mem>>) src(%dma_wait3A_68 : memref<10000xi32, #tpu.memory_space<hbm>>) dst(%dma_wait3A_67 : memref<10000xi32, #tpu.memory_space<vmem>>)
    %dma_wait3A_69 = arith.constant 0 : i32
    %dma_wait3A_70 = tpu.memref_slice %arg7[%dma_wait3A_69] : memref<10240xi32, #tpu.memory_space<vmem>> -> memref<10000xi32, #tpu.memory_space<vmem>>
    %dma_wait3A_71 = tpu.memref_slice %arg3[%mul3A_2] : memref<160000xi32, #tpu.memory_space<hbm>> -> memref<10000xi32, #tpu.memory_space<hbm>>
    %dma_wait3A_72 = arith.constant 0 : i32
    %dma_wait3A_73 = tpu.memref_slice %arg7[%dma_wait3A_72] : memref<10240xi32, #tpu.memory_space<vmem>> -> memref<10000xi32, #tpu.memory_space<vmem>>
    %dma_wait3A_74 = tpu.memref_slice %arg3[%mul3A_2] : memref<160000xi32, #tpu.memory_space<hbm>> -> memref<10000xi32, #tpu.memory_space<hbm>>
    tpu.wait_dma2 semaphore(%arg12 : memref<!tpu.dma_semaphore, #tpu.memory_space<semaphore_mem>>) src(%dma_wait3A_74 : memref<10000xi32, #tpu.memory_space<hbm>>) dst(%dma_wait3A_73 : memref<10000xi32, #tpu.memory_space<vmem>>)
    %broadcast_in_dim3A_75 = arith.constant -1 : i32
    %broadcast_in_dim3A_76 = vector.broadcast %broadcast_in_dim3A_75 : i32 to vector<16xi32>
    %swap3A_77 = arith.constant 10000 : index
    %swap3A_78 = tpu.vector_load %arg6[%swap3A_77] {strides = array<i32>} : memref<10240xi32, #tpu.memory_space<vmem>>, vector<16xi32>,
    %swap3A_79 = vector.shape_cast %swap3A_78 : vector<16xi32> to vector<16xi32>
    %swap3A_80 = vector.shape_cast %broadcast_in_dim3A_76 : vector<16xi32> to vector<16xi32>
    tpu.vector_store %arg6[%swap3A_77], %swap3A_80 {strides = array<i32>} : memref<10240xi32, #tpu.memory_space<vmem>>, vector<16xi32>,
    %broadcast_in_dim3A_81 = arith.constant -1 : i32
    %broadcast_in_dim3A_82 = vector.broadcast %broadcast_in_dim3A_81 : i32 to vector<16xi32>
    %swap3A_83 = arith.constant 10016 : index
    %swap3A_84 = tpu.vector_load %arg6[%swap3A_83] {strides = array<i32>} : memref<10240xi32, #tpu.memory_space<vmem>>, vector<16xi32>,
    %swap3A_85 = vector.shape_cast %swap3A_84 : vector<16xi32> to vector<16xi32>
    %swap3A_86 = vector.shape_cast %broadcast_in_dim3A_82 : vector<16xi32> to vector<16xi32>
    tpu.vector_store %arg6[%swap3A_83], %swap3A_86 {strides = array<i32>} : memref<10240xi32, #tpu.memory_space<vmem>>, vector<16xi32>,
    %broadcast_in_dim3A_87 = arith.constant -1 : i32
    %broadcast_in_dim3A_88 = vector.broadcast %broadcast_in_dim3A_87 : i32 to vector<16xi32>
    %swap3A_89 = arith.constant 10032 : index
    %swap3A_90 = tpu.vector_load %arg6[%swap3A_89] {strides = array<i32>} : memref<10240xi32, #tpu.memory_space<vmem>>, vector<16xi32>,
    %swap3A_91 = vector.shape_cast %swap3A_90 : vector<16xi32> to vector<16xi32>
    %swap3A_92 = vector.shape_cast %broadcast_in_dim3A_88 : vector<16xi32> to vector<16xi32>
    tpu.vector_store %arg6[%swap3A_89], %swap3A_92 {strides = array<i32>} : memref<10240xi32, #tpu.memory_space<vmem>>, vector<16xi32>,
    %broadcast_in_dim3A_93 = arith.constant -1 : i32
    %broadcast_in_dim3A_94 = vector.broadcast %broadcast_in_dim3A_93 : i32 to vector<16xi32>
    %swap3A_95 = arith.constant 10048 : index
    %swap3A_96 = tpu.vector_load %arg6[%swap3A_95] {strides = array<i32>} : memref<10240xi32, #tpu.memory_space<vmem>>, vector<16xi32>,
    %swap3A_97 = vector.shape_cast %swap3A_96 : vector<16xi32> to vector<16xi32>
    %swap3A_98 = vector.shape_cast %broadcast_in_dim3A_94 : vector<16xi32> to vector<16xi32>
    tpu.vector_store %arg6[%swap3A_95], %swap3A_98 {strides = array<i32>} : memref<10240xi32, #tpu.memory_space<vmem>>, vector<16xi32>,
    %broadcast_in_dim3A_99 = arith.constant -1 : i32
    %broadcast_in_dim3A_100 = vector.broadcast %broadcast_in_dim3A_99 : i32 to vector<16xi32>
    %swap3A_101 = arith.constant 10064 : index
    %swap3A_102 = tpu.vector_load %arg6[%swap3A_101] {strides = array<i32>} : memref<10240xi32, #tpu.memory_space<vmem>>, vector<16xi32>,
    %swap3A_103 = vector.shape_cast %swap3A_102 : vector<16xi32> to vector<16xi32>
    %swap3A_104 = vector.shape_cast %broadcast_in_dim3A_100 : vector<16xi32> to vector<16xi32>
    tpu.vector_store %arg6[%swap3A_101], %swap3A_104 {strides = array<i32>} : memref<10240xi32, #tpu.memory_space<vmem>>, vector<16xi32>,
    %broadcast_in_dim3A_105 = arith.constant -1 : i32
    %broadcast_in_dim3A_106 = vector.broadcast %broadcast_in_dim3A_105 : i32 to vector<16xi32>
    %swap3A_107 = arith.constant 10080 : index
    %swap3A_108 = tpu.vector_load %arg6[%swap3A_107] {strides = array<i32>} : memref<10240xi32, #tpu.memory_space<vmem>>, vector<16xi32>,
    %swap3A_109 = vector.shape_cast %swap3A_108 : vector<16xi32> to vector<16xi32>
    %swap3A_110 = vector.shape_cast %broadcast_in_dim3A_106 : vector<16xi32> to vector<16xi32>
    tpu.vector_store %arg6[%swap3A_107], %swap3A_110 {strides = array<i32>} : memref<10240xi32, #tpu.memory_space<vmem>>, vector<16xi32>,
    %broadcast_in_dim3A_111 = arith.constant -1 : i32
    %broadcast_in_dim3A_112 = vector.broadcast %broadcast_in_dim3A_111 : i32 to vector<16xi32>
    %swap3A_113 = arith.constant 10096 : index
    %swap3A_114 = tpu.vector_load %arg6[%swap3A_113] {strides = array<i32>} : memref<10240xi32, #tpu.memory_space<vmem>>, vector<16xi32>,
    %swap3A_115 = vector.shape_cast %swap3A_114 : vector<16xi32> to vector<16xi32>
    %swap3A_116 = vector.shape_cast %broadcast_in_dim3A_112 : vector<16xi32> to vector<16xi32>
    tpu.vector_store %arg6[%swap3A_113], %swap3A_116 {strides = array<i32>} : memref<10240xi32, #tpu.memory_space<vmem>>, vector<16xi32>,
    %broadcast_in_dim3A_117 = arith.constant -1 : i32
    %broadcast_in_dim3A_118 = vector.broadcast %broadcast_in_dim3A_117 : i32 to vector<16xi32>
    %swap3A_119 = arith.constant 10112 : index
    %swap3A_120 = tpu.vector_load %arg6[%swap3A_119] {strides = array<i32>} : memref<10240xi32, #tpu.memory_space<vmem>>, vector<16xi32>,
    %swap3A_121 = vector.shape_cast %swap3A_120 : vector<16xi32> to vector<16xi32>
    %swap3A_122 = vector.shape_cast %broadcast_in_dim3A_118 : vector<16xi32> to vector<16xi32>
    tpu.vector_store %arg6[%swap3A_119], %swap3A_122 {strides = array<i32>} : memref<10240xi32, #tpu.memory_space<vmem>>, vector<16xi32>,
    %broadcast_in_dim3A_123 = arith.constant -1 : i32
    %broadcast_in_dim3A_124 = vector.broadcast %broadcast_in_dim3A_123 : i32 to vector<16xi32>
    %swap3A_125 = arith.constant 10128 : index
    %swap3A_126 = tpu.vector_load %arg6[%swap3A_125] {strides = array<i32>} : memref<10240xi32, #tpu.memory_space<vmem>>, vector<16xi32>,
    %swap3A_127 = vector.shape_cast %swap3A_126 : vector<16xi32> to vector<16xi32>
    %swap3A_128 = vector.shape_cast %broadcast_in_dim3A_124 : vector<16xi32> to vector<16xi32>
    tpu.vector_store %arg6[%swap3A_125], %swap3A_128 {strides = array<i32>} : memref<10240xi32, #tpu.memory_space<vmem>>, vector<16xi32>,
    %broadcast_in_dim3A_129 = arith.constant -1 : i32
    %broadcast_in_dim3A_130 = vector.broadcast %broadcast_in_dim3A_129 : i32 to vector<16xi32>
    %swap3A_131 = arith.constant 10144 : index
    %swap3A_132 = tpu.vector_load %arg6[%swap3A_131] {strides = array<i32>} : memref<10240xi32, #tpu.memory_space<vmem>>, vector<16xi32>,
    %swap3A_133 = vector.shape_cast %swap3A_132 : vector<16xi32> to vector<16xi32>
    %swap3A_134 = vector.shape_cast %broadcast_in_dim3A_130 : vector<16xi32> to vector<16xi32>
    tpu.vector_store %arg6[%swap3A_131], %swap3A_134 {strides = array<i32>} : memref<10240xi32, #tpu.memory_space<vmem>>, vector<16xi32>,
    %broadcast_in_dim3A_135 = arith.constant -1 : i32
    %broadcast_in_dim3A_136 = vector.broadcast %broadcast_in_dim3A_135 : i32 to vector<16xi32>
    %swap3A_137 = arith.constant 10160 : index
    %swap3A_138 = tpu.vector_load %arg6[%swap3A_137] {strides = array<i32>} : memref<10240xi32, #tpu.memory_space<vmem>>, vector<16xi32>,
    %swap3A_139 = vector.shape_cast %swap3A_138 : vector<16xi32> to vector<16xi32>
    %swap3A_140 = vector.shape_cast %broadcast_in_dim3A_136 : vector<16xi32> to vector<16xi32>
    tpu.vector_store %arg6[%swap3A_137], %swap3A_140 {strides = array<i32>} : memref<10240xi32, #tpu.memory_space<vmem>>, vector<16xi32>,
    %broadcast_in_dim3A_141 = arith.constant -1 : i32
    %broadcast_in_dim3A_142 = vector.broadcast %broadcast_in_dim3A_141 : i32 to vector<16xi32>
    %swap3A_143 = arith.constant 10176 : index
    %swap3A_144 = tpu.vector_load %arg6[%swap3A_143] {strides = array<i32>} : memref<10240xi32, #tpu.memory_space<vmem>>, vector<16xi32>,
    %swap3A_145 = vector.shape_cast %swap3A_144 : vector<16xi32> to vector<16xi32>
    %swap3A_146 = vector.shape_cast %broadcast_in_dim3A_142 : vector<16xi32> to vector<16xi32>
    tpu.vector_store %arg6[%swap3A_143], %swap3A_146 {strides = array<i32>} : memref<10240xi32, #tpu.memory_space<vmem>>, vector<16xi32>,
    %broadcast_in_dim3A_147 = arith.constant -1 : i32
    %broadcast_in_dim3A_148 = vector.broadcast %broadcast_in_dim3A_147 : i32 to vector<16xi32>
    %swap3A_149 = arith.constant 10192 : index
    %swap3A_150 = tpu.vector_load %arg6[%swap3A_149] {strides = array<i32>} : memref<10240xi32, #tpu.memory_space<vmem>>, vector<16xi32>,
    %swap3A_151 = vector.shape_cast %swap3A_150 : vector<16xi32> to vector<16xi32>
    %swap3A_152 = vector.shape_cast %broadcast_in_dim3A_148 : vector<16xi32> to vector<16xi32>
    tpu.vector_store %arg6[%swap3A_149], %swap3A_152 {strides = array<i32>} : memref<10240xi32, #tpu.memory_space<vmem>>, vector<16xi32>,
    %broadcast_in_dim3A_153 = arith.constant -1 : i32
    %broadcast_in_dim3A_154 = vector.broadcast %broadcast_in_dim3A_153 : i32 to vector<16xi32>
    %swap3A_155 = arith.constant 10208 : index
    %swap3A_156 = tpu.vector_load %arg6[%swap3A_155] {strides = array<i32>} : memref<10240xi32, #tpu.memory_space<vmem>>, vector<16xi32>,
    %swap3A_157 = vector.shape_cast %swap3A_156 : vector<16xi32> to vector<16xi32>
    %swap3A_158 = vector.shape_cast %broadcast_in_dim3A_154 : vector<16xi32> to vector<16xi32>
    tpu.vector_store %arg6[%swap3A_155], %swap3A_158 {strides = array<i32>} : memref<10240xi32, #tpu.memory_space<vmem>>, vector<16xi32>,
    %broadcast_in_dim3A_159 = arith.constant -1 : i32
    %broadcast_in_dim3A_160 = vector.broadcast %broadcast_in_dim3A_159 : i32 to vector<16xi32>
    %swap3A_161 = arith.constant 10224 : index
    %swap3A_162 = tpu.vector_load %arg6[%swap3A_161] {strides = array<i32>} : memref<10240xi32, #tpu.memory_space<vmem>>, vector<16xi32>,
    %swap3A_163 = vector.shape_cast %swap3A_162 : vector<16xi32> to vector<16xi32>
    %swap3A_164 = vector.shape_cast %broadcast_in_dim3A_160 : vector<16xi32> to vector<16xi32>
    tpu.vector_store %arg6[%swap3A_161], %swap3A_164 {strides = array<i32>} : memref<10240xi32, #tpu.memory_space<vmem>>, vector<16xi32>,
    %iota3A = tpu.iota {dimensions = array<i32: 0>} : vector<16xi32>
    %scan3A = arith.constant 0 : i32
    %scan3A_165 = arith.constant 0 : i32
    %scan3A_166 = arith.constant 80 : i32
    %scan3A_167 = arith.addi %scan3A_165, %scan3A_166 : i32
    %scan3A_168 = arith.constant 1 : i32
    %scan3A_169 = scf.for %scan3A_194 = %scan3A_165 to %scan3A_167 step %scan3A_168 iter_args(%scan3A_195 = %scan3A) -> (i32)  : i32 {
      %mul3A_196 = arith.constant 8 : i32
      %mul3A_197 = arith.muli %scan3A_194, %mul3A_196 : i32
      %add3A_198 = arith.constant 0 : i32
      %add3A_199 = arith.addi %mul3A_197, %add3A_198 : i32
      %mul3A_200 = arith.constant 16 : i32
      %mul3A_201 = arith.muli %add3A_199, %mul3A_200 : i32
      %get3A = arith.index_cast %mul3A_201 : i32 to index
      %get3A_202 = tpu.vector_load %arg6[%get3A] {strides = array<i32>} : memref<10240xi32, #tpu.memory_space<vmem>>, vector<16xi32>,
      %get3A_203 = vector.shape_cast %get3A_202 : vector<16xi32> to vector<16xi32>
      %mul3A_204 = arith.constant 16 : i32
      %mul3A_205 = arith.muli %add3A_199, %mul3A_204 : i32
      %get3A_206 = arith.index_cast %mul3A_205 : i32 to index
      %get3A_207 = tpu.vector_load %arg7[%get3A_206] {strides = array<i32>} : memref<10240xi32, #tpu.memory_space<vmem>>, vector<16xi32>,
      %get3A_208 = vector.shape_cast %get3A_207 : vector<16xi32> to vector<16xi32>
      %ge3A = vector.broadcast %mul3A_0 : i32 to vector<16xi32>
      %ge3A_209 = arith.cmpi sge, %get3A_203, %ge3A : vector<16xi32>
      %add3A_210 = arith.constant 5000 : i32
      %add3A_211 = arith.addi %mul3A_0, %add3A_210 : i32
      %lt3A = vector.broadcast %add3A_211 : i32 to vector<16xi32>
      %lt3A_212 = arith.cmpi slt, %get3A_203, %lt3A : vector<16xi32>
      %and3A = arith.andi %ge3A_209, %lt3A_212 : vector<16xi1>
      %mul3A_213 = arith.constant 16 : i32
      %mul3A_214 = arith.muli %add3A_199, %mul3A_213 : i32
      %add3A_215 = vector.broadcast %mul3A_214 : i32 to vector<16xi32>
      %add3A_216 = arith.addi %add3A_215, %iota3A : vector<16xi32>
      %and3A_217 = arith.constant 2047 : i32
      %and3A_218 = vector.broadcast %and3A_217 : i32 to vector<16xi32>
      %and3A_219 = arith.andi %add3A_216, %and3A_218 : vector<16xi32>
      %add3A_220 = arith.constant 1280000 : i32
      %add3A_221 = vector.broadcast %add3A_220 : i32 to vector<16xi32>
      %add3A_222 = arith.addi %add3A_221, %and3A_219 : vector<16xi32>
      %sub3A = vector.broadcast %mul3A_0 : i32 to vector<16xi32>
      %sub3A_223 = arith.subi %get3A_203, %sub3A : vector<16xi32>
      %mul3A_224 = arith.constant 256 : i32
      %mul3A_225 = vector.broadcast %mul3A_224 : i32 to vector<16xi32>
      %mul3A_226 = arith.muli %sub3A_223, %mul3A_225 : vector<16xi32>
      %add3A_227 = arith.addi %mul3A_226, %get3A_208 : vector<16xi32>
      %select_n3A = arith.select %and3A, %add3A_227, %add3A_222 : vector<16xi1>, vector<16xi32>
      %swap3A_228 = arith.index_cast %scan3A_194 : i32 to index
      %swap3A_229 = arith.constant 0 : index
      %swap3A_230 = tpu.vector_load %arg8[%swap3A_228, %swap3A_229] {strides = array<i32>} : memref<80x128xi32, #tpu.memory_space<vmem>>, vector<1x16xi32>,
      %swap3A_231 = vector.shape_cast %swap3A_230 : vector<1x16xi32> to vector<16xi32>
      %swap3A_232 = vector.shape_cast %select_n3A : vector<16xi32> to vector<1x16xi32>
      tpu.vector_store %arg8[%swap3A_228, %swap3A_229], %swap3A_232 {strides = array<i32>} : memref<80x128xi32, #tpu.memory_space<vmem>>, vector<1x16xi32>,
      %mul3A_233 = arith.constant 8 : i32
      %mul3A_234 = arith.muli %scan3A_194, %mul3A_233 : i32
      %add3A_235 = arith.constant 1 : i32
      %add3A_236 = arith.addi %mul3A_234, %add3A_235 : i32
      %mul3A_237 = arith.constant 16 : i32
      %mul3A_238 = arith.muli %add3A_236, %mul3A_237 : i32
      %get3A_239 = arith.index_cast %mul3A_238 : i32 to index
      %get3A_240 = tpu.vector_load %arg6[%get3A_239] {strides = array<i32>} : memref<10240xi32, #tpu.memory_space<vmem>>, vector<16xi32>,
      %get3A_241 = vector.shape_cast %get3A_240 : vector<16xi32> to vector<16xi32>
      %mul3A_242 = arith.constant 16 : i32
      %mul3A_243 = arith.muli %add3A_236, %mul3A_242 : i32
      %get3A_244 = arith.index_cast %mul3A_243 : i32 to index
      %get3A_245 = tpu.vector_load %arg7[%get3A_244] {strides = array<i32>} : memref<10240xi32, #tpu.memory_space<vmem>>, vector<16xi32>,
      %get3A_246 = vector.shape_cast %get3A_245 : vector<16xi32> to vector<16xi32>
      %ge3A_247 = vector.broadcast %mul3A_0 : i32 to vector<16xi32>
      %ge3A_248 = arith.cmpi sge, %get3A_241, %ge3A_247 : vector<16xi32>
      %add3A_249 = arith.constant 5000 : i32
      %add3A_250 = arith.addi %mul3A_0, %add3A_249 : i32
      %lt3A_251 = vector.broadcast %add3A_250 : i32 to vector<16xi32>
      %lt3A_252 = arith.cmpi slt, %get3A_241, %lt3A_251 : vector<16xi32>
      %and3A_253 = arith.andi %ge3A_248, %lt3A_252 : vector<16xi1>
      %mul3A_254 = arith.constant 16 : i32
      %mul3A_255 = arith.muli %add3A_236, %mul3A_254 : i32
      %add3A_256 = vector.broadcast %mul3A_255 : i32 to vector<16xi32>
      %add3A_257 = arith.addi %add3A_256, %iota3A : vector<16xi32>
      %and3A_258 = arith.constant 2047 : i32
      %and3A_259 = vector.broadcast %and3A_258 : i32 to vector<16xi32>
      %and3A_260 = arith.andi %add3A_257, %and3A_259 : vector<16xi32>
      %add3A_261 = arith.constant 1280000 : i32
      %add3A_262 = vector.broadcast %add3A_261 : i32 to vector<16xi32>
      %add3A_263 = arith.addi %add3A_262, %and3A_260 : vector<16xi32>
      %sub3A_264 = vector.broadcast %mul3A_0 : i32 to vector<16xi32>
      %sub3A_265 = arith.subi %get3A_241, %sub3A_264 : vector<16xi32>
      %mul3A_266 = arith.constant 256 : i32
      %mul3A_267 = vector.broadcast %mul3A_266 : i32 to vector<16xi32>
      %mul3A_268 = arith.muli %sub3A_265, %mul3A_267 : vector<16xi32>
      %add3A_269 = arith.addi %mul3A_268, %get3A_246 : vector<16xi32>
      %select_n3A_270 = arith.select %and3A_253, %add3A_269, %add3A_263 : vector<16xi1>, vector<16xi32>
      %swap3A_271 = arith.index_cast %scan3A_194 : i32 to index
      %swap3A_272 = arith.constant 16 : index
      %swap3A_273 = tpu.vector_load %arg8[%swap3A_271, %swap3A_272] {strides = array<i32>} : memref<80x128xi32, #tpu.memory_space<vmem>>, vector<1x16xi32>,
      %swap3A_274 = vector.shape_cast %swap3A_273 : vector<1x16xi32> to vector<16xi32>
      %swap3A_275 = vector.shape_cast %select_n3A_270 : vector<16xi32> to vector<1x16xi32>
      tpu.vector_store %arg8[%swap3A_271, %swap3A_272], %swap3A_275 {strides = array<i32>} : memref<80x128xi32, #tpu.memory_space<vmem>>, vector<1x16xi32>,
      %mul3A_276 = arith.constant 8 : i32
      %mul3A_277 = arith.muli %scan3A_194, %mul3A_276 : i32
      %add3A_278 = arith.constant 2 : i32
      %add3A_279 = arith.addi %mul3A_277, %add3A_278 : i32
      %mul3A_280 = arith.constant 16 : i32
      %mul3A_281 = arith.muli %add3A_279, %mul3A_280 : i32
      %get3A_282 = arith.index_cast %mul3A_281 : i32 to index
      %get3A_283 = tpu.vector_load %arg6[%get3A_282] {strides = array<i32>} : memref<10240xi32, #tpu.memory_space<vmem>>, vector<16xi32>,
      %get3A_284 = vector.shape_cast %get3A_283 : vector<16xi32> to vector<16xi32>
      %mul3A_285 = arith.constant 16 : i32
      %mul3A_286 = arith.muli %add3A_279, %mul3A_285 : i32
      %get3A_287 = arith.index_cast %mul3A_286 : i32 to index
      %get3A_288 = tpu.vector_load %arg7[%get3A_287] {strides = array<i32>} : memref<10240xi32, #tpu.memory_space<vmem>>, vector<16xi32>,
      %get3A_289 = vector.shape_cast %get3A_288 : vector<16xi32> to vector<16xi32>
      %ge3A_290 = vector.broadcast %mul3A_0 : i32 to vector<16xi32>
      %ge3A_291 = arith.cmpi sge, %get3A_284, %ge3A_290 : vector<16xi32>
      %add3A_292 = arith.constant 5000 : i32
      %add3A_293 = arith.addi %mul3A_0, %add3A_292 : i32
      %lt3A_294 = vector.broadcast %add3A_293 : i32 to vector<16xi32>
      %lt3A_295 = arith.cmpi slt, %get3A_284, %lt3A_294 : vector<16xi32>
      %and3A_296 = arith.andi %ge3A_291, %lt3A_295 : vector<16xi1>
      %mul3A_297 = arith.constant 16 : i32
      %mul3A_298 = arith.muli %add3A_279, %mul3A_297 : i32
      %add3A_299 = vector.broadcast %mul3A_298 : i32 to vector<16xi32>
      %add3A_300 = arith.addi %add3A_299, %iota3A : vector<16xi32>
      %and3A_301 = arith.constant 2047 : i32
      %and3A_302 = vector.broadcast %and3A_301 : i32 to vector<16xi32>
      %and3A_303 = arith.andi %add3A_300, %and3A_302 : vector<16xi32>
      %add3A_304 = arith.constant 1280000 : i32
      %add3A_305 = vector.broadcast %add3A_304 : i32 to vector<16xi32>
      %add3A_306 = arith.addi %add3A_305, %and3A_303 : vector<16xi32>
      %sub3A_307 = vector.broadcast %mul3A_0 : i32 to vector<16xi32>
      %sub3A_308 = arith.subi %get3A_284, %sub3A_307 : vector<16xi32>
      %mul3A_309 = arith.constant 256 : i32
      %mul3A_310 = vector.broadcast %mul3A_309 : i32 to vector<16xi32>
      %mul3A_311 = arith.muli %sub3A_308, %mul3A_310 : vector<16xi32>
      %add3A_312 = arith.addi %mul3A_311, %get3A_289 : vector<16xi32>
      %select_n3A_313 = arith.select %and3A_296, %add3A_312, %add3A_306 : vector<16xi1>, vector<16xi32>
      %swap3A_314 = arith.index_cast %scan3A_194 : i32 to index
      %swap3A_315 = arith.constant 32 : index
      %swap3A_316 = tpu.vector_load %arg8[%swap3A_314, %swap3A_315] {strides = array<i32>} : memref<80x128xi32, #tpu.memory_space<vmem>>, vector<1x16xi32>,
      %swap3A_317 = vector.shape_cast %swap3A_316 : vector<1x16xi32> to vector<16xi32>
      %swap3A_318 = vector.shape_cast %select_n3A_313 : vector<16xi32> to vector<1x16xi32>
      tpu.vector_store %arg8[%swap3A_314, %swap3A_315], %swap3A_318 {strides = array<i32>} : memref<80x128xi32, #tpu.memory_space<vmem>>, vector<1x16xi32>,
      %mul3A_319 = arith.constant 8 : i32
      %mul3A_320 = arith.muli %scan3A_194, %mul3A_319 : i32
      %add3A_321 = arith.constant 3 : i32
      %add3A_322 = arith.addi %mul3A_320, %add3A_321 : i32
      %mul3A_323 = arith.constant 16 : i32
      %mul3A_324 = arith.muli %add3A_322, %mul3A_323 : i32
      %get3A_325 = arith.index_cast %mul3A_324 : i32 to index
      %get3A_326 = tpu.vector_load %arg6[%get3A_325] {strides = array<i32>} : memref<10240xi32, #tpu.memory_space<vmem>>, vector<16xi32>,
      %get3A_327 = vector.shape_cast %get3A_326 : vector<16xi32> to vector<16xi32>
      %mul3A_328 = arith.constant 16 : i32
      %mul3A_329 = arith.muli %add3A_322, %mul3A_328 : i32
      %get3A_330 = arith.index_cast %mul3A_329 : i32 to index
      %get3A_331 = tpu.vector_load %arg7[%get3A_330] {strides = array<i32>} : memref<10240xi32, #tpu.memory_space<vmem>>, vector<16xi32>,
      %get3A_332 = vector.shape_cast %get3A_331 : vector<16xi32> to vector<16xi32>
      %ge3A_333 = vector.broadcast %mul3A_0 : i32 to vector<16xi32>
      %ge3A_334 = arith.cmpi sge, %get3A_327, %ge3A_333 : vector<16xi32>
      %add3A_335 = arith.constant 5000 : i32
      %add3A_336 = arith.addi %mul3A_0, %add3A_335 : i32
      %lt3A_337 = vector.broadcast %add3A_336 : i32 to vector<16xi32>
      %lt3A_338 = arith.cmpi slt, %get3A_327, %lt3A_337 : vector<16xi32>
      %and3A_339 = arith.andi %ge3A_334, %lt3A_338 : vector<16xi1>
      %mul3A_340 = arith.constant 16 : i32
      %mul3A_341 = arith.muli %add3A_322, %mul3A_340 : i32
      %add3A_342 = vector.broadcast %mul3A_341 : i32 to vector<16xi32>
      %add3A_343 = arith.addi %add3A_342, %iota3A : vector<16xi32>
      %and3A_344 = arith.constant 2047 : i32
      %and3A_345 = vector.broadcast %and3A_344 : i32 to vector<16xi32>
      %and3A_346 = arith.andi %add3A_343, %and3A_345 : vector<16xi32>
      %add3A_347 = arith.constant 1280000 : i32
      %add3A_348 = vector.broadcast %add3A_347 : i32 to vector<16xi32>
      %add3A_349 = arith.addi %add3A_348, %and3A_346 : vector<16xi32>
      %sub3A_350 = vector.broadcast %mul3A_0 : i32 to vector<16xi32>
      %sub3A_351 = arith.subi %get3A_327, %sub3A_350 : vector<16xi32>
      %mul3A_352 = arith.constant 256 : i32
      %mul3A_353 = vector.broadcast %mul3A_352 : i32 to vector<16xi32>
      %mul3A_354 = arith.muli %sub3A_351, %mul3A_353 : vector<16xi32>
      %add3A_355 = arith.addi %mul3A_354, %get3A_332 : vector<16xi32>
      %select_n3A_356 = arith.select %and3A_339, %add3A_355, %add3A_349 : vector<16xi1>, vector<16xi32>
      %swap3A_357 = arith.index_cast %scan3A_194 : i32 to index
      %swap3A_358 = arith.constant 48 : index
      %swap3A_359 = tpu.vector_load %arg8[%swap3A_357, %swap3A_358] {strides = array<i32>} : memref<80x128xi32, #tpu.memory_space<vmem>>, vector<1x16xi32>,
      %swap3A_360 = vector.shape_cast %swap3A_359 : vector<1x16xi32> to vector<16xi32>
      %swap3A_361 = vector.shape_cast %select_n3A_356 : vector<16xi32> to vector<1x16xi32>
      tpu.vector_store %arg8[%swap3A_357, %swap3A_358], %swap3A_361 {strides = array<i32>} : memref<80x128xi32, #tpu.memory_space<vmem>>, vector<1x16xi32>,
      %mul3A_362 = arith.constant 8 : i32
      %mul3A_363 = arith.muli %scan3A_194, %mul3A_362 : i32
      %add3A_364 = arith.constant 4 : i32
      %add3A_365 = arith.addi %mul3A_363, %add3A_364 : i32
      %mul3A_366 = arith.constant 16 : i32
      %mul3A_367 = arith.muli %add3A_365, %mul3A_366 : i32
      %get3A_368 = arith.index_cast %mul3A_367 : i32 to index
      %get3A_369 = tpu.vector_load %arg6[%get3A_368] {strides = array<i32>} : memref<10240xi32, #tpu.memory_space<vmem>>, vector<16xi32>,
      %get3A_370 = vector.shape_cast %get3A_369 : vector<16xi32> to vector<16xi32>
      %mul3A_371 = arith.constant 16 : i32
      %mul3A_372 = arith.muli %add3A_365, %mul3A_371 : i32
      %get3A_373 = arith.index_cast %mul3A_372 : i32 to index
      %get3A_374 = tpu.vector_load %arg7[%get3A_373] {strides = array<i32>} : memref<10240xi32, #tpu.memory_space<vmem>>, vector<16xi32>,
      %get3A_375 = vector.shape_cast %get3A_374 : vector<16xi32> to vector<16xi32>
      %ge3A_376 = vector.broadcast %mul3A_0 : i32 to vector<16xi32>
      %ge3A_377 = arith.cmpi sge, %get3A_370, %ge3A_376 : vector<16xi32>
      %add3A_378 = arith.constant 5000 : i32
      %add3A_379 = arith.addi %mul3A_0, %add3A_378 : i32
      %lt3A_380 = vector.broadcast %add3A_379 : i32 to vector<16xi32>
      %lt3A_381 = arith.cmpi slt, %get3A_370, %lt3A_380 : vector<16xi32>
      %and3A_382 = arith.andi %ge3A_377, %lt3A_381 : vector<16xi1>
      %mul3A_383 = arith.constant 16 : i32
      %mul3A_384 = arith.muli %add3A_365, %mul3A_383 : i32
      %add3A_385 = vector.broadcast %mul3A_384 : i32 to vector<16xi32>
      %add3A_386 = arith.addi %add3A_385, %iota3A : vector<16xi32>
      %and3A_387 = arith.constant 2047 : i32
      %and3A_388 = vector.broadcast %and3A_387 : i32 to vector<16xi32>
      %and3A_389 = arith.andi %add3A_386, %and3A_388 : vector<16xi32>
      %add3A_390 = arith.constant 1280000 : i32
      %add3A_391 = vector.broadcast %add3A_390 : i32 to vector<16xi32>
      %add3A_392 = arith.addi %add3A_391, %and3A_389 : vector<16xi32>
      %sub3A_393 = vector.broadcast %mul3A_0 : i32 to vector<16xi32>
      %sub3A_394 = arith.subi %get3A_370, %sub3A_393 : vector<16xi32>
      %mul3A_395 = arith.constant 256 : i32
      %mul3A_396 = vector.broadcast %mul3A_395 : i32 to vector<16xi32>
      %mul3A_397 = arith.muli %sub3A_394, %mul3A_396 : vector<16xi32>
      %add3A_398 = arith.addi %mul3A_397, %get3A_375 : vector<16xi32>
      %select_n3A_399 = arith.select %and3A_382, %add3A_398, %add3A_392 : vector<16xi1>, vector<16xi32>
      %swap3A_400 = arith.index_cast %scan3A_194 : i32 to index
      %swap3A_401 = arith.constant 64 : index
      %swap3A_402 = tpu.vector_load %arg8[%swap3A_400, %swap3A_401] {strides = array<i32>} : memref<80x128xi32, #tpu.memory_space<vmem>>, vector<1x16xi32>,
      %swap3A_403 = vector.shape_cast %swap3A_402 : vector<1x16xi32> to vector<16xi32>
      %swap3A_404 = vector.shape_cast %select_n3A_399 : vector<16xi32> to vector<1x16xi32>
      tpu.vector_store %arg8[%swap3A_400, %swap3A_401], %swap3A_404 {strides = array<i32>} : memref<80x128xi32, #tpu.memory_space<vmem>>, vector<1x16xi32>,
      %mul3A_405 = arith.constant 8 : i32
      %mul3A_406 = arith.muli %scan3A_194, %mul3A_405 : i32
      %add3A_407 = arith.constant 5 : i32
      %add3A_408 = arith.addi %mul3A_406, %add3A_407 : i32
      %mul3A_409 = arith.constant 16 : i32
      %mul3A_410 = arith.muli %add3A_408, %mul3A_409 : i32
      %get3A_411 = arith.index_cast %mul3A_410 : i32 to index
      %get3A_412 = tpu.vector_load %arg6[%get3A_411] {strides = array<i32>} : memref<10240xi32, #tpu.memory_space<vmem>>, vector<16xi32>,
      %get3A_413 = vector.shape_cast %get3A_412 : vector<16xi32> to vector<16xi32>
      %mul3A_414 = arith.constant 16 : i32
      %mul3A_415 = arith.muli %add3A_408, %mul3A_414 : i32
      %get3A_416 = arith.index_cast %mul3A_415 : i32 to index
      %get3A_417 = tpu.vector_load %arg7[%get3A_416] {strides = array<i32>} : memref<10240xi32, #tpu.memory_space<vmem>>, vector<16xi32>,
      %get3A_418 = vector.shape_cast %get3A_417 : vector<16xi32> to vector<16xi32>
      %ge3A_419 = vector.broadcast %mul3A_0 : i32 to vector<16xi32>
      %ge3A_420 = arith.cmpi sge, %get3A_413, %ge3A_419 : vector<16xi32>
      %add3A_421 = arith.constant 5000 : i32
      %add3A_422 = arith.addi %mul3A_0, %add3A_421 : i32
      %lt3A_423 = vector.broadcast %add3A_422 : i32 to vector<16xi32>
      %lt3A_424 = arith.cmpi slt, %get3A_413, %lt3A_423 : vector<16xi32>
      %and3A_425 = arith.andi %ge3A_420, %lt3A_424 : vector<16xi1>
      %mul3A_426 = arith.constant 16 : i32
      %mul3A_427 = arith.muli %add3A_408, %mul3A_426 : i32
      %add3A_428 = vector.broadcast %mul3A_427 : i32 to vector<16xi32>
      %add3A_429 = arith.addi %add3A_428, %iota3A : vector<16xi32>
      %and3A_430 = arith.constant 2047 : i32
      %and3A_431 = vector.broadcast %and3A_430 : i32 to vector<16xi32>
      %and3A_432 = arith.andi %add3A_429, %and3A_431 : vector<16xi32>
      %add3A_433 = arith.constant 1280000 : i32
      %add3A_434 = vector.broadcast %add3A_433 : i32 to vector<16xi32>
      %add3A_435 = arith.addi %add3A_434, %and3A_432 : vector<16xi32>
      %sub3A_436 = vector.broadcast %mul3A_0 : i32 to vector<16xi32>
      %sub3A_437 = arith.subi %get3A_413, %sub3A_436 : vector<16xi32>
      %mul3A_438 = arith.constant 256 : i32
      %mul3A_439 = vector.broadcast %mul3A_438 : i32 to vector<16xi32>
      %mul3A_440 = arith.muli %sub3A_437, %mul3A_439 : vector<16xi32>
      %add3A_441 = arith.addi %mul3A_440, %get3A_418 : vector<16xi32>
      %select_n3A_442 = arith.select %and3A_425, %add3A_441, %add3A_435 : vector<16xi1>, vector<16xi32>
      %swap3A_443 = arith.index_cast %scan3A_194 : i32 to index
      %swap3A_444 = arith.constant 80 : index
      %swap3A_445 = tpu.vector_load %arg8[%swap3A_443, %swap3A_444] {strides = array<i32>} : memref<80x128xi32, #tpu.memory_space<vmem>>, vector<1x16xi32>,
      %swap3A_446 = vector.shape_cast %swap3A_445 : vector<1x16xi32> to vector<16xi32>
      %swap3A_447 = vector.shape_cast %select_n3A_442 : vector<16xi32> to vector<1x16xi32>
      tpu.vector_store %arg8[%swap3A_443, %swap3A_444], %swap3A_447 {strides = array<i32>} : memref<80x128xi32, #tpu.memory_space<vmem>>, vector<1x16xi32>,
      %mul3A_448 = arith.constant 8 : i32
      %mul3A_449 = arith.muli %scan3A_194, %mul3A_448 : i32
      %add3A_450 = arith.constant 6 : i32
      %add3A_451 = arith.addi %mul3A_449, %add3A_450 : i32
      %mul3A_452 = arith.constant 16 : i32
      %mul3A_453 = arith.muli %add3A_451, %mul3A_452 : i32
      %get3A_454 = arith.index_cast %mul3A_453 : i32 to index
      %get3A_455 = tpu.vector_load %arg6[%get3A_454] {strides = array<i32>} : memref<10240xi32, #tpu.memory_space<vmem>>, vector<16xi32>,
      %get3A_456 = vector.shape_cast %get3A_455 : vector<16xi32> to vector<16xi32>
      %mul3A_457 = arith.constant 16 : i32
      %mul3A_458 = arith.muli %add3A_451, %mul3A_457 : i32
      %get3A_459 = arith.index_cast %mul3A_458 : i32 to index
      %get3A_460 = tpu.vector_load %arg7[%get3A_459] {strides = array<i32>} : memref<10240xi32, #tpu.memory_space<vmem>>, vector<16xi32>,
      %get3A_461 = vector.shape_cast %get3A_460 : vector<16xi32> to vector<16xi32>
      %ge3A_462 = vector.broadcast %mul3A_0 : i32 to vector<16xi32>
      %ge3A_463 = arith.cmpi sge, %get3A_456, %ge3A_462 : vector<16xi32>
      %add3A_464 = arith.constant 5000 : i32
      %add3A_465 = arith.addi %mul3A_0, %add3A_464 : i32
      %lt3A_466 = vector.broadcast %add3A_465 : i32 to vector<16xi32>
      %lt3A_467 = arith.cmpi slt, %get3A_456, %lt3A_466 : vector<16xi32>
      %and3A_468 = arith.andi %ge3A_463, %lt3A_467 : vector<16xi1>
      %mul3A_469 = arith.constant 16 : i32
      %mul3A_470 = arith.muli %add3A_451, %mul3A_469 : i32
      %add3A_471 = vector.broadcast %mul3A_470 : i32 to vector<16xi32>
      %add3A_472 = arith.addi %add3A_471, %iota3A : vector<16xi32>
      %and3A_473 = arith.constant 2047 : i32
      %and3A_474 = vector.broadcast %and3A_473 : i32 to vector<16xi32>
      %and3A_475 = arith.andi %add3A_472, %and3A_474 : vector<16xi32>
      %add3A_476 = arith.constant 1280000 : i32
      %add3A_477 = vector.broadcast %add3A_476 : i32 to vector<16xi32>
      %add3A_478 = arith.addi %add3A_477, %and3A_475 : vector<16xi32>
      %sub3A_479 = vector.broadcast %mul3A_0 : i32 to vector<16xi32>
      %sub3A_480 = arith.subi %get3A_456, %sub3A_479 : vector<16xi32>
      %mul3A_481 = arith.constant 256 : i32
      %mul3A_482 = vector.broadcast %mul3A_481 : i32 to vector<16xi32>
      %mul3A_483 = arith.muli %sub3A_480, %mul3A_482 : vector<16xi32>
      %add3A_484 = arith.addi %mul3A_483, %get3A_461 : vector<16xi32>
      %select_n3A_485 = arith.select %and3A_468, %add3A_484, %add3A_478 : vector<16xi1>, vector<16xi32>
      %swap3A_486 = arith.index_cast %scan3A_194 : i32 to index
      %swap3A_487 = arith.constant 96 : index
      %swap3A_488 = tpu.vector_load %arg8[%swap3A_486, %swap3A_487] {strides = array<i32>} : memref<80x128xi32, #tpu.memory_space<vmem>>, vector<1x16xi32>,
      %swap3A_489 = vector.shape_cast %swap3A_488 : vector<1x16xi32> to vector<16xi32>
      %swap3A_490 = vector.shape_cast %select_n3A_485 : vector<16xi32> to vector<1x16xi32>
      tpu.vector_store %arg8[%swap3A_486, %swap3A_487], %swap3A_490 {strides = array<i32>} : memref<80x128xi32, #tpu.memory_space<vmem>>, vector<1x16xi32>,
      %mul3A_491 = arith.constant 8 : i32
      %mul3A_492 = arith.muli %scan3A_194, %mul3A_491 : i32
      %add3A_493 = arith.constant 7 : i32
      %add3A_494 = arith.addi %mul3A_492, %add3A_493 : i32
      %mul3A_495 = arith.constant 16 : i32
      %mul3A_496 = arith.muli %add3A_494, %mul3A_495 : i32
      %get3A_497 = arith.index_cast %mul3A_496 : i32 to index
      %get3A_498 = tpu.vector_load %arg6[%get3A_497] {strides = array<i32>} : memref<10240xi32, #tpu.memory_space<vmem>>, vector<16xi32>,
      %get3A_499 = vector.shape_cast %get3A_498 : vector<16xi32> to vector<16xi32>
      %mul3A_500 = arith.constant 16 : i32
      %mul3A_501 = arith.muli %add3A_494, %mul3A_500 : i32
      %get3A_502 = arith.index_cast %mul3A_501 : i32 to index
      %get3A_503 = tpu.vector_load %arg7[%get3A_502] {strides = array<i32>} : memref<10240xi32, #tpu.memory_space<vmem>>, vector<16xi32>,
      %get3A_504 = vector.shape_cast %get3A_503 : vector<16xi32> to vector<16xi32>
      %ge3A_505 = vector.broadcast %mul3A_0 : i32 to vector<16xi32>
      %ge3A_506 = arith.cmpi sge, %get3A_499, %ge3A_505 : vector<16xi32>
      %add3A_507 = arith.constant 5000 : i32
      %add3A_508 = arith.addi %mul3A_0, %add3A_507 : i32
      %lt3A_509 = vector.broadcast %add3A_508 : i32 to vector<16xi32>
      %lt3A_510 = arith.cmpi slt, %get3A_499, %lt3A_509 : vector<16xi32>
      %and3A_511 = arith.andi %ge3A_506, %lt3A_510 : vector<16xi1>
      %mul3A_512 = arith.constant 16 : i32
      %mul3A_513 = arith.muli %add3A_494, %mul3A_512 : i32
      %add3A_514 = vector.broadcast %mul3A_513 : i32 to vector<16xi32>
      %add3A_515 = arith.addi %add3A_514, %iota3A : vector<16xi32>
      %and3A_516 = arith.constant 2047 : i32
      %and3A_517 = vector.broadcast %and3A_516 : i32 to vector<16xi32>
      %and3A_518 = arith.andi %add3A_515, %and3A_517 : vector<16xi32>
      %add3A_519 = arith.constant 1280000 : i32
      %add3A_520 = vector.broadcast %add3A_519 : i32 to vector<16xi32>
      %add3A_521 = arith.addi %add3A_520, %and3A_518 : vector<16xi32>
      %sub3A_522 = vector.broadcast %mul3A_0 : i32 to vector<16xi32>
      %sub3A_523 = arith.subi %get3A_499, %sub3A_522 : vector<16xi32>
      %mul3A_524 = arith.constant 256 : i32
      %mul3A_525 = vector.broadcast %mul3A_524 : i32 to vector<16xi32>
      %mul3A_526 = arith.muli %sub3A_523, %mul3A_525 : vector<16xi32>
      %add3A_527 = arith.addi %mul3A_526, %get3A_504 : vector<16xi32>
      %select_n3A_528 = arith.select %and3A_511, %add3A_527, %add3A_521 : vector<16xi1>, vector<16xi32>
      %swap3A_529 = arith.index_cast %scan3A_194 : i32 to index
      %swap3A_530 = arith.constant 112 : index
      %swap3A_531 = tpu.vector_load %arg8[%swap3A_529, %swap3A_530] {strides = array<i32>} : memref<80x128xi32, #tpu.memory_space<vmem>>, vector<1x16xi32>,
      %swap3A_532 = vector.shape_cast %swap3A_531 : vector<1x16xi32> to vector<16xi32>
      %swap3A_533 = vector.shape_cast %select_n3A_528 : vector<16xi32> to vector<1x16xi32>
      tpu.vector_store %arg8[%swap3A_529, %swap3A_530], %swap3A_533 {strides = array<i32>} : memref<80x128xi32, #tpu.memory_space<vmem>>, vector<1x16xi32>,
      %scan3A_534 = arith.constant 0 : i32
      scf.yield %scan3A_534 : i32
    }
    %scan3A_170 = arith.constant 80 : i32
    %dma_wait3A_171 = tpu.memref_slice %arg10[%mul3A_61] : memref<1282048xf32, #tpu.memory_space<vmem_shared>> -> memref<80000xf32, #tpu.memory_space<vmem_shared>>
    %dma_wait3A_172 = tpu.memref_slice %arg4[%mul3A_61] : memref<1280000xf32, #tpu.memory_space<hbm>> -> memref<80000xf32, #tpu.memory_space<hbm>>
    tpu.wait_dma2 semaphore(%arg11 : memref<!tpu.dma_semaphore, #tpu.memory_space<semaphore_mem>>) src(%dma_wait3A_172 : memref<80000xf32, #tpu.memory_space<hbm>>) dst(%dma_wait3A_171 : memref<80000xf32, #tpu.memory_space<vmem_shared>>)
    %barrier3A = arith.constant 0 : index
    tpu.barrier barrier_id(%barrier3A)
    %scan3A_173 = arith.constant 0 : i32
    %scan3A_174 = arith.constant 0 : i32
    %scan3A_175 = arith.constant 80 : i32
    %scan3A_176 = arith.addi %scan3A_174, %scan3A_175 : i32
    %scan3A_177 = arith.constant 1 : i32
    %scan3A_178 = scf.for %scan3A_194 = %scan3A_174 to %scan3A_176 step %scan3A_177 iter_args(%scan3A_195 = %scan3A_173) -> (i32)  : i32 {
      %dma_start3A_196 = arith.constant 0 : i32
      %dma_start3A_197 = tpu.memref_slice %arg8[%scan3A_194, %dma_start3A_196] : memref<80x128xi32, #tpu.memory_space<vmem>> -> memref<1x128xi32, #tpu.memory_space<vmem>>
      %dma_start3A_198 = tpu.memref_squeeze %dma_start3A_197 : memref<1x128xi32, #tpu.memory_space<vmem>> -> memref<128xi32, #tpu.memory_space<vmem>>
      %dma_start3A_199 = arith.constant 0 : i32
      %dma_start3A_200 = tpu.memref_slice %arg10[%dma_start3A_199] : memref<1282048xf32, #tpu.memory_space<vmem_shared>> -> memref<1282048xf32, #tpu.memory_space<vmem_shared>>
      tpu.enqueue_indirect_dma source(%arg9 : memref<128xf32, #tpu.memory_space<vmem>>) target(%dma_start3A_200 : memref<1282048xf32, #tpu.memory_space<vmem_shared>>) offsets(%dma_start3A_198 : memref<128xi32, #tpu.memory_space<vmem>>) semaphore(%arg11 : memref<!tpu.dma_semaphore, #tpu.memory_space<semaphore_mem>>) {add = true}
      %scan3A_201 = arith.constant 0 : i32
      scf.yield %scan3A_201 : i32
    }
    %scan3A_179 = arith.constant 80 : i32
    %scan3A_180 = arith.constant 0 : i32
    %scan3A_181 = arith.constant 0 : i32
    %scan3A_182 = arith.constant 80 : i32
    %scan3A_183 = arith.addi %scan3A_181, %scan3A_182 : i32
    %scan3A_184 = arith.constant 1 : i32
    %scan3A_185 = scf.for %scan3A_194 = %scan3A_181 to %scan3A_183 step %scan3A_184 iter_args(%scan3A_195 = %scan3A_180) -> (i32)  : i32 {
      %dma_wait3A_196 = arith.constant 0 : i32
      %dma_wait3A_197 = tpu.memref_slice %arg8[%scan3A_194, %dma_wait3A_196] : memref<80x128xi32, #tpu.memory_space<vmem>> -> memref<1x128xi32, #tpu.memory_space<vmem>>
      %dma_wait3A_198 = tpu.memref_squeeze %dma_wait3A_197 : memref<1x128xi32, #tpu.memory_space<vmem>> -> memref<128xi32, #tpu.memory_space<vmem>>
      %dma_wait3A_199 = arith.constant 0 : i32
      %dma_wait3A_200 = tpu.memref_slice %arg10[%dma_wait3A_199] : memref<1282048xf32, #tpu.memory_space<vmem_shared>> -> memref<1282048xf32, #tpu.memory_space<vmem_shared>>
      tpu.wait_indirect_dma semaphore(%arg11 : memref<!tpu.dma_semaphore, #tpu.memory_space<semaphore_mem>>) src(%arg9 : memref<128xf32, #tpu.memory_space<vmem>>) dst(%dma_wait3A_200 : memref<1282048xf32, #tpu.memory_space<vmem_shared>>)
      %scan3A_201 = arith.constant 0 : i32
      scf.yield %scan3A_201 : i32
    }
    %scan3A_186 = arith.constant 80 : i32
    %barrier3A_187 = arith.constant 0 : index
    tpu.barrier barrier_id(%barrier3A_187)
    %mul3A_188 = arith.constant 1280000 : i32
    %mul3A_189 = arith.muli %arg0, %mul3A_188 : i32
    %mul3A_190 = arith.constant 80000 : i32
    %mul3A_191 = arith.muli %arg1, %mul3A_190 : i32
    %add3A = arith.addi %mul3A_189, %mul3A_191 : i32
    %mul3A_192 = arith.constant 80000 : i32
    %mul3A_193 = arith.muli %arg1, %mul3A_192 : i32
    "tpu.region"() ({
      %run_scoped3A = tpu.sem_alloc : memref<!tpu.dma_semaphore, #tpu.memory_space<semaphore_mem>>
      %dma_start3A_194 = tpu.memref_slice %arg5[%add3A] : memref<2560000xf32, #tpu.memory_space<hbm>> -> memref<80000xf32, #tpu.memory_space<hbm>>
      %dma_start3A_195 = tpu.memref_slice %arg10[%mul3A_193] : memref<1282048xf32, #tpu.memory_space<vmem_shared>> -> memref<80000xf32, #tpu.memory_space<vmem_shared>>
      tpu.enqueue_dma source(%dma_start3A_195 : memref<80000xf32, #tpu.memory_space<vmem_shared>>) target(%dma_start3A_194 : memref<80000xf32, #tpu.memory_space<hbm>>) target_semaphore(%run_scoped3A : memref<!tpu.dma_semaphore, #tpu.memory_space<semaphore_mem>>)
      %dma_wait3A_196 = tpu.memref_slice %arg5[%add3A] : memref<2560000xf32, #tpu.memory_space<hbm>> -> memref<80000xf32, #tpu.memory_space<hbm>>
      %dma_wait3A_197 = tpu.memref_slice %arg10[%mul3A_193] : memref<1282048xf32, #tpu.memory_space<vmem_shared>> -> memref<80000xf32, #tpu.memory_space<vmem_shared>>
      tpu.wait_dma2 semaphore(%run_scoped3A : memref<!tpu.dma_semaphore, #tpu.memory_space<semaphore_mem>>) src(%dma_wait3A_197 : memref<80000xf32, #tpu.memory_space<vmem_shared>>) dst(%dma_wait3A_196 : memref<80000xf32, #tpu.memory_space<hbm>>)
      tpu.yield
    }) : () -> ()
    return
  }
}

module attributes {stable_mosaic.version = 14 : i64} {
  func.func @_tc1_body(%arg0: i32, %arg1: memref<1x2000x128xf32, #tpu.memory_space<vmem>>, %arg2: memref<128x128xf32, #tpu.memory_space<vmem>>, %arg3: memref<2000x256xf32, #tpu.memory_space<vmem>>, %arg4: memref<2000x128xf32, #tpu.memory_space<vmem>>, %arg5: memref<2000x1xf32, #tpu.memory_space<vmem>>, %arg6: memref<256x128xf32, #tpu.memory_space<vmem>>, %arg7: memref<1x256xf32, #tpu.memory_space<vmem>>, %arg8: memref<1x1xf32, #tpu.memory_space<vmem>>) attributes {dimension_semantics = [#tpu.dimension_semantics<arbitrary>], iteration_bounds = array<i64: 5>, scalar_prefetch = 0 : i64, scratch_operands = 0 : i64, tpu.core_type = #tpu.core_type<tc>, window_params = [{transform_indices = @transform_0, window_bounds = array<i64: 1, 2000, 128>}, {pipeline_mode = #tpu.pipeline_mode<synchronous>, transform_indices = @transform_1, window_bounds = array<i64: 128, 128>}, {transform_indices = @transform_2, window_bounds = array<i64: 2000, 256>}, {transform_indices = @transform_3, window_bounds = array<i64: 2000, 128>}, {transform_indices = @transform_4, window_bounds = array<i64: 2000, 1>}, {pipeline_mode = #tpu.pipeline_mode<synchronous>, transform_indices = @transform_5, window_bounds = array<i64: 256, 128>}, {pipeline_mode = #tpu.pipeline_mode<synchronous>, transform_indices = @transform_6, window_bounds = array<i64: 1, 256>}, {pipeline_mode = #tpu.pipeline_mode<synchronous>, transform_indices = @transform_7, window_bounds = array<i64: 1, 1>}]} {
    %get3A = arith.constant 0 : index
    %get3A_0 = arith.constant 0 : index
    %get3A_1 = arith.constant 0 : index
    %get3A_2 = vector.load %arg1[%get3A, %get3A_0, %get3A_1] : memref<1x2000x128xf32, #tpu.memory_space<vmem>>, vector<1x2000x128xf32>
    %get3A_3 = vector.shape_cast %get3A_2 : vector<1x2000x128xf32> to vector<2000x128xf32>
    %get3A_4 = arith.constant 0 : index
    %get3A_5 = arith.constant 0 : index
    %get3A_6 = vector.load %arg2[%get3A_4, %get3A_5] : memref<128x128xf32, #tpu.memory_space<vmem>>, vector<128x128xf32>
    %dot_general3A = arith.constant dense<0.000000e+00> : vector<2000x128xf32>
    %dot_general3A_7 = tpu.matmul %get3A_3, %get3A_6, %dot_general3A {dimension_numbers = #tpu.dot_dimension_numbers<[1], [0], [0], [1], [0, 0, 1, 1], [], []>, transpose_lhs_hint = false} : vector<2000x128xf32>, vector<128x128xf32>, vector<2000x128xf32> -> vector<2000x128xf32>
    %swap3A = arith.constant 0 : index
    %swap3A_8 = arith.constant 0 : index
    %swap3A_9 = vector.load %arg4[%swap3A, %swap3A_8] : memref<2000x128xf32, #tpu.memory_space<vmem>>, vector<2000x128xf32>
    tpu.vector_store %arg4[%swap3A, %swap3A_8], %dot_general3A_7 {strides = array<i32>} : memref<2000x128xf32, #tpu.memory_space<vmem>>, vector<2000x128xf32>,
    %get3A_10 = arith.constant 0 : index
    %get3A_11 = arith.constant 0 : index
    %get3A_12 = vector.load %arg3[%get3A_10, %get3A_11] : memref<2000x256xf32, #tpu.memory_space<vmem>>, vector<2000x256xf32>
    %reduce_sum3A = arith.constant dense<0.000000e+00> : vector<2000xf32>
    %reduce_sum3A_13 = vector.multi_reduction <add>, %get3A_12, %reduce_sum3A [1] : vector<2000x256xf32> to vector<2000xf32>
    %broadcast_in_dim3A = vector.shape_cast %reduce_sum3A_13 : vector<2000xf32> to vector<2000x1xf32>
    %swap3A_14 = arith.constant 0 : index
    %swap3A_15 = arith.constant 0 : index
    %swap3A_16 = vector.load %arg5[%swap3A_14, %swap3A_15] : memref<2000x1xf32, #tpu.memory_space<vmem>>, vector<2000x1xf32>
    tpu.vector_store %arg5[%swap3A_14, %swap3A_15], %broadcast_in_dim3A {strides = array<i32>} : memref<2000x1xf32, #tpu.memory_space<vmem>>, vector<2000x1xf32>,
    %dot_general3A_17 = arith.constant dense<0.000000e+00> : vector<256x128xf32>
    %dot_general3A_18 = tpu.matmul %get3A_12, %dot_general3A_7, %dot_general3A_17 {dimension_numbers = #tpu.dot_dimension_numbers<[0], [0], [1], [1], [0, 1, 1, 1], [], []>, precision = #tpu.contract_precision<fp32>, transpose_lhs_hint = false} : vector<2000x256xf32>, vector<2000x128xf32>, vector<256x128xf32> -> vector<256x128xf32>
    %reduce_sum3A_19 = arith.constant dense<0.000000e+00> : vector<256xf32>
    %reduce_sum3A_20 = vector.multi_reduction <add>, %get3A_12, %reduce_sum3A_19 [0] : vector<2000x256xf32> to vector<256xf32>
    %broadcast_in_dim3A_21 = vector.shape_cast %reduce_sum3A_20 : vector<256xf32> to vector<1x256xf32>
    %reduce_sum3A_22 = arith.constant dense<0.000000e+00> : vector<2000xf32>
    %reduce_sum3A_23 = vector.multi_reduction <add>, %dot_general3A_7, %reduce_sum3A_22 [1] : vector<2000x128xf32> to vector<2000xf32>
    %broadcast_in_dim3A_24 = vector.shape_cast %reduce_sum3A_23 : vector<2000xf32> to vector<2000x1xf32>
    %mul3A = arith.mulf %broadcast_in_dim3A, %broadcast_in_dim3A_24 : vector<2000x1xf32>
    %reduce_sum3A_25 = vector.shape_cast %mul3A : vector<2000x1xf32> to vector<1x2000x1xf32>
    %reduce_sum3A_26 = arith.constant dense<0.000000e+00> : vector<1xf32>
    %reduce_sum3A_27 = vector.multi_reduction <add>, %reduce_sum3A_25, %reduce_sum3A_26 [1, 2] : vector<1x2000x1xf32> to vector<1xf32>
    %reduce_sum3A_28 = vector.shape_cast %reduce_sum3A_27 : vector<1xf32> to vector<1x1x1xf32>
    %reduce_sum3A_29 = vector.extract %reduce_sum3A_28[0, 0, 0] : f32 from vector<1x1x1xf32>
    %reshape3A = vector.broadcast %reduce_sum3A_29 : f32 to vector<1x1xf32>
    %eq3A = arith.constant 0 : i32
    %eq3A_30 = arith.cmpi eq, %arg0, %eq3A : i32
    %convert_element_type3A = arith.extui %eq3A_30 : i1 to i32
    %cond3A = arith.constant 0 : i32
    %cond3A_31 = arith.cmpi ne, %convert_element_type3A, %cond3A : i32
    scf.if %cond3A_31 {
      %swap3A_36 = arith.constant 0 : index
      %swap3A_37 = arith.constant 0 : index
      %swap3A_38 = vector.load %arg6[%swap3A_36, %swap3A_37] : memref<256x128xf32, #tpu.memory_space<vmem>>, vector<256x128xf32>
      tpu.vector_store %arg6[%swap3A_36, %swap3A_37], %dot_general3A_18 {strides = array<i32>} : memref<256x128xf32, #tpu.memory_space<vmem>>, vector<256x128xf32>,
      %swap3A_39 = arith.constant 0 : index
      %swap3A_40 = arith.constant 0 : index
      %swap3A_41 = vector.load %arg7[%swap3A_39, %swap3A_40] : memref<1x256xf32, #tpu.memory_space<vmem>>, vector<1x256xf32>
      tpu.vector_store %arg7[%swap3A_39, %swap3A_40], %broadcast_in_dim3A_21 {strides = array<i32>} : memref<1x256xf32, #tpu.memory_space<vmem>>, vector<1x256xf32>,
      %swap3A_42 = arith.constant 0 : index
      %swap3A_43 = arith.constant 0 : index
      %swap3A_44 = vector.load %arg8[%swap3A_42, %swap3A_43] : memref<1x1xf32, #tpu.memory_space<vmem>>, vector<1x1xf32>
      tpu.vector_store %arg8[%swap3A_42, %swap3A_43], %reshape3A {strides = array<i32>} : memref<1x1xf32, #tpu.memory_space<vmem>>, vector<1x1xf32>,
    } else {
    }
    %gt3A = arith.constant 0 : i32
    %gt3A_32 = arith.cmpi sgt, %arg0, %gt3A : i32
    %convert_element_type3A_33 = arith.extui %gt3A_32 : i1 to i32
    %cond3A_34 = arith.constant 0 : i32
    %cond3A_35 = arith.cmpi ne, %convert_element_type3A_33, %cond3A_34 : i32
    scf.if %cond3A_35 {
      %get3A_36 = arith.constant 0 : index
      %get3A_37 = arith.constant 0 : index
      %get3A_38 = vector.load %arg6[%get3A_36, %get3A_37] : memref<256x128xf32, #tpu.memory_space<vmem>>, vector<256x128xf32>
      %add3A = arith.addf %get3A_38, %dot_general3A_18 : vector<256x128xf32>
      %swap3A_39 = arith.constant 0 : index
      %swap3A_40 = arith.constant 0 : index
      %swap3A_41 = vector.load %arg6[%swap3A_39, %swap3A_40] : memref<256x128xf32, #tpu.memory_space<vmem>>, vector<256x128xf32>
      tpu.vector_store %arg6[%swap3A_39, %swap3A_40], %add3A {strides = array<i32>} : memref<256x128xf32, #tpu.memory_space<vmem>>, vector<256x128xf32>,
      %get3A_42 = arith.constant 0 : index
      %get3A_43 = arith.constant 0 : index
      %get3A_44 = vector.load %arg7[%get3A_42, %get3A_43] : memref<1x256xf32, #tpu.memory_space<vmem>>, vector<1x256xf32>
      %add3A_45 = arith.addf %get3A_44, %broadcast_in_dim3A_21 : vector<1x256xf32>
      %swap3A_46 = arith.constant 0 : index
      %swap3A_47 = arith.constant 0 : index
      %swap3A_48 = vector.load %arg7[%swap3A_46, %swap3A_47] : memref<1x256xf32, #tpu.memory_space<vmem>>, vector<1x256xf32>
      tpu.vector_store %arg7[%swap3A_46, %swap3A_47], %add3A_45 {strides = array<i32>} : memref<1x256xf32, #tpu.memory_space<vmem>>, vector<1x256xf32>,
      %get3A_49 = arith.constant 0 : index
      %get3A_50 = arith.constant 0 : index
      %get3A_51 = vector.load %arg8[%get3A_49, %get3A_50] : memref<1x1xf32, #tpu.memory_space<vmem>>, vector<1x1xf32>
      %add3A_52 = arith.addf %get3A_51, %reshape3A : vector<1x1xf32>
      %swap3A_53 = arith.constant 0 : index
      %swap3A_54 = arith.constant 0 : index
      %swap3A_55 = vector.load %arg8[%swap3A_53, %swap3A_54] : memref<1x1xf32, #tpu.memory_space<vmem>>, vector<1x1xf32>
      tpu.vector_store %arg8[%swap3A_53, %swap3A_54], %add3A_52 {strides = array<i32>} : memref<1x1xf32, #tpu.memory_space<vmem>>, vector<1x1xf32>,
    } else {
    }
    return
  }
  func.func @transform_0(%arg0: i32) -> (i32, i32, i32) {
    %c0_i32 = arith.constant 0 : i32
    %c0_i32_0 = arith.constant 0 : i32
    %c0_i32_1 = arith.constant 0 : i32
    return %c0_i32, %arg0, %c0_i32_0 : i32, i32, i32
  }
  func.func @transform_1(%arg0: i32) -> (i32, i32) {
    %c0_i32 = arith.constant 0 : i32
    %c0_i32_0 = arith.constant 0 : i32
    %c0_i32_1 = arith.constant 0 : i32
    return %c0_i32, %c0_i32_0 : i32, i32
  }
  func.func @transform_2(%arg0: i32) -> (i32, i32) {
    %c0_i32 = arith.constant 0 : i32
    %c0_i32_0 = arith.constant 0 : i32
    return %arg0, %c0_i32 : i32, i32
  }
  func.func @transform_3(%arg0: i32) -> (i32, i32) {
    %c0_i32 = arith.constant 0 : i32
    %c0_i32_0 = arith.constant 0 : i32
    return %arg0, %c0_i32 : i32, i32
  }
  func.func @transform_4(%arg0: i32) -> (i32, i32) {
    %c0_i32 = arith.constant 0 : i32
    %c0_i32_0 = arith.constant 0 : i32
    return %arg0, %c0_i32 : i32, i32
  }
  func.func @transform_5(%arg0: i32) -> (i32, i32) {
    %c0_i32 = arith.constant 0 : i32
    %c0_i32_0 = arith.constant 0 : i32
    %c0_i32_1 = arith.constant 0 : i32
    return %c0_i32, %c0_i32_0 : i32, i32
  }
  func.func @transform_6(%arg0: i32) -> (i32, i32) {
    %c0_i32 = arith.constant 0 : i32
    %c0_i32_0 = arith.constant 0 : i32
    %c0_i32_1 = arith.constant 0 : i32
    return %c0_i32, %c0_i32_0 : i32, i32
  }
  func.func @transform_7(%arg0: i32) -> (i32, i32) {
    %c0_i32 = arith.constant 0 : i32
    %c0_i32_0 = arith.constant 0 : i32
    %c0_i32_1 = arith.constant 0 : i32
    return %c0_i32, %c0_i32_0 : i32, i32
  }
}

module attributes {stable_mosaic.version = 14 : i64} {
  func.func @_tc3_body(%arg0: i32, %arg1: memref<2000x256xf32, #tpu.memory_space<vmem>>, %arg2: memref<2000x128xf32, #tpu.memory_space<vmem>>, %arg3: memref<256x128xf32, #tpu.memory_space<vmem>>, %arg4: memref<1x128xf32, #tpu.memory_space<vmem>>, %arg5: memref<1x128xf32, #tpu.memory_space<vmem>>, %arg6: memref<2000x256xf32, #tpu.memory_space<vmem>>, %arg7: memref<256x128xf32, #tpu.memory_space<vmem>>) attributes {dimension_semantics = [#tpu.dimension_semantics<arbitrary>], iteration_bounds = array<i64: 5>, scalar_prefetch = 0 : i64, scratch_operands = 0 : i64, tpu.core_type = #tpu.core_type<tc>, window_params = [{transform_indices = @transform_0, window_bounds = array<i64: 2000, 256>}, {transform_indices = @transform_1, window_bounds = array<i64: 2000, 128>}, {pipeline_mode = #tpu.pipeline_mode<synchronous>, transform_indices = @transform_2, window_bounds = array<i64: 256, 128>}, {pipeline_mode = #tpu.pipeline_mode<synchronous>, transform_indices = @transform_3, window_bounds = array<i64: 1, 128>}, {pipeline_mode = #tpu.pipeline_mode<synchronous>, transform_indices = @transform_4, window_bounds = array<i64: 1, 128>}, {transform_indices = @transform_5, window_bounds = array<i64: 2000, 256>}, {pipeline_mode = #tpu.pipeline_mode<synchronous>, transform_indices = @transform_6, window_bounds = array<i64: 256, 128>}]} {
    %get3A = arith.constant 0 : index
    %get3A_0 = arith.constant 0 : index
    %get3A_1 = vector.load %arg1[%get3A, %get3A_0] : memref<2000x256xf32, #tpu.memory_space<vmem>>, vector<2000x256xf32>
    %get3A_2 = arith.constant 0 : index
    %get3A_3 = arith.constant 0 : index
    %get3A_4 = vector.load %arg2[%get3A_2, %get3A_3] : memref<2000x128xf32, #tpu.memory_space<vmem>>, vector<2000x128xf32>
    %get3A_5 = arith.constant 0 : index
    %get3A_6 = arith.constant 0 : index
    %get3A_7 = vector.load %arg4[%get3A_5, %get3A_6] : memref<1x128xf32, #tpu.memory_space<vmem>>, vector<1x128xf32>
    %mul3A = vector.broadcast %get3A_7 : vector<1x128xf32> to vector<2000x128xf32>
    %mul3A_8 = arith.mulf %get3A_4, %mul3A : vector<2000x128xf32>
    %reduce_sum3A = arith.constant dense<0.000000e+00> : vector<2000xf32>
    %reduce_sum3A_9 = vector.multi_reduction <add>, %mul3A_8, %reduce_sum3A [1] : vector<2000x128xf32> to vector<2000xf32>
    %broadcast_in_dim3A = vector.shape_cast %reduce_sum3A_9 : vector<2000xf32> to vector<2000x1xf32>
    %get3A_10 = arith.constant 0 : index
    %get3A_11 = arith.constant 0 : index
    %get3A_12 = vector.load %arg3[%get3A_10, %get3A_11] : memref<256x128xf32, #tpu.memory_space<vmem>>, vector<256x128xf32>
    %get3A_13 = arith.constant 0 : index
    %get3A_14 = arith.constant 0 : index
    %get3A_15 = vector.load %arg5[%get3A_13, %get3A_14] : memref<1x128xf32, #tpu.memory_space<vmem>>, vector<1x128xf32>
    %mul3A_16 = vector.broadcast %get3A_15 : vector<1x128xf32> to vector<256x128xf32>
    %mul3A_17 = arith.mulf %get3A_12, %mul3A_16 : vector<256x128xf32>
    %reduce_sum3A_18 = arith.constant dense<0.000000e+00> : vector<256xf32>
    %reduce_sum3A_19 = vector.multi_reduction <add>, %mul3A_17, %reduce_sum3A_18 [1] : vector<256x128xf32> to vector<256xf32>
    %broadcast_in_dim3A_20 = vector.shape_cast %reduce_sum3A_19 : vector<256xf32> to vector<1x256xf32>
    %add3A = vector.broadcast %broadcast_in_dim3A : vector<2000x1xf32> to vector<2000x256xf32>
    %add3A_21 = vector.broadcast %broadcast_in_dim3A_20 : vector<1x256xf32> to vector<2000x256xf32>
    %add3A_22 = arith.addf %add3A, %add3A_21 : vector<2000x256xf32>
    %ge3A = arith.constant 0.000000e+00 : f32
    %ge3A_23 = vector.broadcast %ge3A : f32 to vector<2000x256xf32>
    %ge3A_24 = arith.cmpf oge, %add3A_22, %ge3A_23 : vector<2000x256xf32>
    %mul3A_25 = arith.constant 2.000000e-01 : f32
    %mul3A_26 = vector.broadcast %mul3A_25 : f32 to vector<2000x256xf32>
    %mul3A_27 = arith.mulf %mul3A_26, %add3A_22 : vector<2000x256xf32>
    %select_n3A = arith.select %ge3A_24, %add3A_22, %mul3A_27 : vector<2000x256xi1>, vector<2000x256xf32>
    %gt3A = arith.constant 0.000000e+00 : f32
    %gt3A_28 = vector.broadcast %gt3A : f32 to vector<2000x256xf32>
    %gt3A_29 = arith.cmpf ogt, %get3A_1, %gt3A_28 : vector<2000x256xf32>
    %jit3A = arith.constant 0xFF800000 : f32
    %broadcast_in_dim3A_30 = vector.broadcast %jit3A : f32 to vector<2000x256xf32>
    %select_n3A_31 = arith.select %gt3A_29, %select_n3A, %broadcast_in_dim3A_30 : vector<2000x256xi1>, vector<2000x256xf32>
    %reduce_max3A = arith.constant dense<0xFF800000> : vector<2000xf32>
    %reduce_max3A_32 = vector.multi_reduction <maximumf>, %select_n3A_31, %reduce_max3A [1] : vector<2000x256xf32> to vector<2000xf32>
    %broadcast_in_dim3A_33 = vector.shape_cast %reduce_max3A_32 : vector<2000xf32> to vector<2000x1xf32>
    %gt3A_34 = arith.constant -3.000000e+38 : f32
    %gt3A_35 = vector.broadcast %gt3A_34 : f32 to vector<2000x1xf32>
    %gt3A_36 = arith.cmpf ogt, %broadcast_in_dim3A_33, %gt3A_35 : vector<2000x1xf32>
    %jit3A_37 = arith.constant 0.000000e+00 : f32
    %broadcast_in_dim3A_38 = vector.broadcast %jit3A_37 : f32 to vector<2000x1xf32>
    %select_n3A_39 = arith.select %gt3A_36, %broadcast_in_dim3A_33, %broadcast_in_dim3A_38 : vector<2000x1xi1>, vector<2000x1xf32>
    %sub3A = vector.broadcast %select_n3A_39 : vector<2000x1xf32> to vector<2000x256xf32>
    %sub3A_40 = arith.subf %select_n3A, %sub3A : vector<2000x256xf32>
    %exp3A = math.exp %sub3A_40 : vector<2000x256xf32>
    %jit3A_41 = arith.constant 0.000000e+00 : f32
    %broadcast_in_dim3A_42 = vector.broadcast %jit3A_41 : f32 to vector<2000x256xf32>
    %select_n3A_43 = arith.select %gt3A_29, %exp3A, %broadcast_in_dim3A_42 : vector<2000x256xi1>, vector<2000x256xf32>
    %mul3A_44 = arith.mulf %get3A_1, %select_n3A_43 : vector<2000x256xf32>
    %reduce_sum3A_45 = arith.constant dense<0.000000e+00> : vector<2000xf32>
    %reduce_sum3A_46 = vector.multi_reduction <add>, %mul3A_44, %reduce_sum3A_45 [1] : vector<2000x256xf32> to vector<2000xf32>
    %broadcast_in_dim3A_47 = vector.shape_cast %reduce_sum3A_46 : vector<2000xf32> to vector<2000x1xf32>
    %mul3A_48 = arith.mulf %get3A_1, %select_n3A_43 : vector<2000x256xf32>
    %add3A_49 = arith.constant 1.000000e-16 : f32
    %add3A_50 = vector.broadcast %add3A_49 : f32 to vector<2000x1xf32>
    %add3A_51 = arith.addf %broadcast_in_dim3A_47, %add3A_50 : vector<2000x1xf32>
    %div3A = vector.broadcast %add3A_51 : vector<2000x1xf32> to vector<2000x256xf32>
    %div3A_52 = arith.divf %mul3A_48, %div3A : vector<2000x256xf32>
    %swap3A = arith.constant 0 : index
    %swap3A_53 = arith.constant 0 : index
    %swap3A_54 = vector.load %arg6[%swap3A, %swap3A_53] : memref<2000x256xf32, #tpu.memory_space<vmem>>, vector<2000x256xf32>
    tpu.vector_store %arg6[%swap3A, %swap3A_53], %div3A_52 {strides = array<i32>} : memref<2000x256xf32, #tpu.memory_space<vmem>>, vector<2000x256xf32>,
    %dot_general3A = arith.constant dense<0.000000e+00> : vector<256x128xf32>
    %dot_general3A_55 = tpu.matmul %div3A_52, %get3A_4, %dot_general3A {dimension_numbers = #tpu.dot_dimension_numbers<[0], [0], [1], [1], [0, 1, 1, 1], [], []>, precision = #tpu.contract_precision<fp32>, transpose_lhs_hint = false} : vector<2000x256xf32>, vector<2000x128xf32>, vector<256x128xf32> -> vector<256x128xf32>
    %eq3A = arith.constant 0 : i32
    %eq3A_56 = arith.cmpi eq, %arg0, %eq3A : i32
    %convert_element_type3A = arith.extui %eq3A_56 : i1 to i32
    %cond3A = arith.constant 0 : i32
    %cond3A_57 = arith.cmpi ne, %convert_element_type3A, %cond3A : i32
    scf.if %cond3A_57 {
      %swap3A_63 = arith.constant 0 : index
      %swap3A_64 = arith.constant 0 : index
      %swap3A_65 = vector.load %arg7[%swap3A_63, %swap3A_64] : memref<256x128xf32, #tpu.memory_space<vmem>>, vector<256x128xf32>
      tpu.vector_store %arg7[%swap3A_63, %swap3A_64], %dot_general3A_55 {strides = array<i32>} : memref<256x128xf32, #tpu.memory_space<vmem>>, vector<256x128xf32>,
    } else {
    }
    %gt3A_58 = arith.constant 0 : i32
    %gt3A_59 = arith.cmpi sgt, %arg0, %gt3A_58 : i32
    %convert_element_type3A_60 = arith.extui %gt3A_59 : i1 to i32
    %cond3A_61 = arith.constant 0 : i32
    %cond3A_62 = arith.cmpi ne, %convert_element_type3A_60, %cond3A_61 : i32
    scf.if %cond3A_62 {
      %get3A_63 = arith.constant 0 : index
      %get3A_64 = arith.constant 0 : index
      %get3A_65 = vector.load %arg7[%get3A_63, %get3A_64] : memref<256x128xf32, #tpu.memory_space<vmem>>, vector<256x128xf32>
      %add3A_66 = arith.addf %get3A_65, %dot_general3A_55 : vector<256x128xf32>
      %swap3A_67 = arith.constant 0 : index
      %swap3A_68 = arith.constant 0 : index
      %swap3A_69 = vector.load %arg7[%swap3A_67, %swap3A_68] : memref<256x128xf32, #tpu.memory_space<vmem>>, vector<256x128xf32>
      tpu.vector_store %arg7[%swap3A_67, %swap3A_68], %add3A_66 {strides = array<i32>} : memref<256x128xf32, #tpu.memory_space<vmem>>, vector<256x128xf32>,
    } else {
    }
    return
  }
  func.func @transform_0(%arg0: i32) -> (i32, i32) {
    %c0_i32 = arith.constant 0 : i32
    %c0_i32_0 = arith.constant 0 : i32
    return %arg0, %c0_i32 : i32, i32
  }
  func.func @transform_1(%arg0: i32) -> (i32, i32) {
    %c0_i32 = arith.constant 0 : i32
    %c0_i32_0 = arith.constant 0 : i32
    return %arg0, %c0_i32 : i32, i32
  }
  func.func @transform_2(%arg0: i32) -> (i32, i32) {
    %c0_i32 = arith.constant 0 : i32
    %c0_i32_0 = arith.constant 0 : i32
    %c0_i32_1 = arith.constant 0 : i32
    return %c0_i32, %c0_i32_0 : i32, i32
  }
  func.func @transform_3(%arg0: i32) -> (i32, i32) {
    %c0_i32 = arith.constant 0 : i32
    %c0_i32_0 = arith.constant 0 : i32
    %c0_i32_1 = arith.constant 0 : i32
    return %c0_i32, %c0_i32_0 : i32, i32
  }
  func.func @transform_4(%arg0: i32) -> (i32, i32) {
    %c0_i32 = arith.constant 0 : i32
    %c0_i32_0 = arith.constant 0 : i32
    %c0_i32_1 = arith.constant 0 : i32
    return %c0_i32, %c0_i32_0 : i32, i32
  }
  func.func @transform_5(%arg0: i32) -> (i32, i32) {
    %c0_i32 = arith.constant 0 : i32
    %c0_i32_0 = arith.constant 0 : i32
    return %arg0, %c0_i32 : i32, i32
  }
  func.func @transform_6(%arg0: i32) -> (i32, i32) {
    %c0_i32 = arith.constant 0 : i32
    %c0_i32_0 = arith.constant 0 : i32
    %c0_i32_1 = arith.constant 0 : i32
    return %c0_i32, %c0_i32_0 : i32, i32
  }
}

module attributes {stable_mosaic.version = 14 : i64} {
  func.func @_tc4_body(%arg0: i32, %arg1: memref<2000x256xf32, #tpu.memory_space<vmem>>, %arg2: memref<256x128xf32, #tpu.memory_space<vmem>>, %arg3: memref<1x256xf32, #tpu.memory_space<vmem>>, %arg4: memref<2000x1xf32, #tpu.memory_space<vmem>>, %arg5: memref<256x128xf32, #tpu.memory_space<vmem>>, %arg6: memref<64x128xf32, #tpu.memory_space<vmem>>, %arg7: memref<1x2000x128xf32, #tpu.memory_space<vmem>>, %arg8: memref<1x1xf32, #tpu.memory_space<vmem>>, %arg9: memref<1x1xf32, #tpu.memory_space<vmem>>) attributes {dimension_semantics = [#tpu.dimension_semantics<arbitrary>], iteration_bounds = array<i64: 5>, scalar_prefetch = 0 : i64, scratch_operands = 0 : i64, tpu.core_type = #tpu.core_type<tc>, window_params = [{transform_indices = @transform_0, window_bounds = array<i64: 2000, 256>}, {pipeline_mode = #tpu.pipeline_mode<synchronous>, transform_indices = @transform_1, window_bounds = array<i64: 256, 128>}, {pipeline_mode = #tpu.pipeline_mode<synchronous>, transform_indices = @transform_2, window_bounds = array<i64: 1, 256>}, {transform_indices = @transform_3, window_bounds = array<i64: 2000, 1>}, {pipeline_mode = #tpu.pipeline_mode<synchronous>, transform_indices = @transform_4, window_bounds = array<i64: 256, 128>}, {transform_indices = @transform_5, window_bounds = array<i64: 64, 128>}, {transform_indices = @transform_6, window_bounds = array<i64: 1, 2000, 128>}, {pipeline_mode = #tpu.pipeline_mode<synchronous>, transform_indices = @transform_7, window_bounds = array<i64: 1, 1>}, {pipeline_mode = #tpu.pipeline_mode<synchronous>, transform_indices = @transform_8, window_bounds = array<i64: 1, 1>}]} {
    %get3A = arith.constant 0 : index
    %get3A_0 = arith.constant 0 : index
    %get3A_1 = vector.load %arg3[%get3A, %get3A_0] : memref<1x256xf32, #tpu.memory_space<vmem>>, vector<1x256xf32>
    %gt3A = arith.constant 0.000000e+00 : f32
    %gt3A_2 = vector.broadcast %gt3A : f32 to vector<1x256xf32>
    %gt3A_3 = arith.cmpf ogt, %get3A_1, %gt3A_2 : vector<1x256xf32>
    %div3A = arith.constant 1.000000e+00 : f32
    %div3A_4 = vector.broadcast %div3A : f32 to vector<1x256xf32>
    %div3A_5 = arith.divf %div3A_4, %get3A_1 : vector<1x256xf32>
    %jit3A = arith.constant 0.000000e+00 : f32
    %broadcast_in_dim3A = vector.broadcast %jit3A : f32 to vector<1x256xf32>
    %select_n3A = arith.select %gt3A_3, %div3A_5, %broadcast_in_dim3A : vector<1x256xi1>, vector<1x256xf32>
    %get3A_6 = arith.constant 0 : index
    %get3A_7 = arith.constant 0 : index
    %get3A_8 = vector.load %arg1[%get3A_6, %get3A_7] : memref<2000x256xf32, #tpu.memory_space<vmem>>, vector<2000x256xf32>
    %mul3A = vector.broadcast %select_n3A : vector<1x256xf32> to vector<2000x256xf32>
    %mul3A_9 = arith.mulf %get3A_8, %mul3A : vector<2000x256xf32>
    %get3A_10 = arith.constant 0 : index
    %get3A_11 = arith.constant 0 : index
    %get3A_12 = vector.load %arg2[%get3A_10, %get3A_11] : memref<256x128xf32, #tpu.memory_space<vmem>>, vector<256x128xf32>
    %dot_general3A = arith.constant dense<0.000000e+00> : vector<2000x128xf32>
    %dot_general3A_13 = tpu.matmul %mul3A_9, %get3A_12, %dot_general3A {dimension_numbers = #tpu.dot_dimension_numbers<[1], [0], [0], [1], [0, 0, 1, 1], [], []>, precision = #tpu.contract_precision<fp32>, transpose_lhs_hint = false} : vector<2000x256xf32>, vector<256x128xf32>, vector<2000x128xf32> -> vector<2000x128xf32>
    %get3A_14 = arith.constant 0 : index
    %get3A_15 = arith.constant 0 : index
    %get3A_16 = vector.load %arg4[%get3A_14, %get3A_15] : memref<2000x1xf32, #tpu.memory_space<vmem>>, vector<2000x1xf32>
    %mul3A_17 = vector.broadcast %get3A_16 : vector<2000x1xf32> to vector<2000x128xf32>
    %mul3A_18 = arith.mulf %mul3A_17, %dot_general3A_13 : vector<2000x128xf32>
    %swap3A = arith.constant 0 : index
    %swap3A_19 = arith.constant 0 : index
    %swap3A_20 = arith.constant 0 : index
    %swap3A_21 = vector.load %arg7[%swap3A, %swap3A_19, %swap3A_20] : memref<1x2000x128xf32, #tpu.memory_space<vmem>>, vector<1x2000x128xf32>
    %swap3A_22 = vector.shape_cast %swap3A_21 : vector<1x2000x128xf32> to vector<2000x128xf32>
    %swap3A_23 = vector.shape_cast %mul3A_18 : vector<2000x128xf32> to vector<1x2000x128xf32>
    tpu.vector_store %arg7[%swap3A, %swap3A_19, %swap3A_20], %swap3A_23 {strides = array<i32>} : memref<1x2000x128xf32, #tpu.memory_space<vmem>>, vector<1x2000x128xf32>,
    %get3A_24 = arith.constant 0 : index
    %get3A_25 = arith.constant 0 : index
    %get3A_26 = vector.load %arg5[%get3A_24, %get3A_25] : memref<256x128xf32, #tpu.memory_space<vmem>>, vector<256x128xf32>
    %mul3A_27 = arith.mulf %get3A_26, %get3A_26 : vector<256x128xf32>
    %reduce_sum3A = arith.constant dense<0.000000e+00> : vector<256xf32>
    %reduce_sum3A_28 = vector.multi_reduction <add>, %mul3A_27, %reduce_sum3A [1] : vector<256x128xf32> to vector<256xf32>
    %broadcast_in_dim3A_29 = vector.shape_cast %reduce_sum3A_28 : vector<256xf32> to vector<1x256xf32>
    %sqrt3A = math.sqrt %broadcast_in_dim3A_29 : vector<1x256xf32>
    %get3A_30 = arith.constant 0 : index
    %get3A_31 = arith.constant 0 : index
    %get3A_32 = vector.load %arg6[%get3A_30, %get3A_31] : memref<64x128xf32, #tpu.memory_space<vmem>>, vector<64x128xf32>
    %dot_general3A_33 = arith.constant dense<0.000000e+00> : vector<64x256xf32>
    %dot_general3A_34 = tpu.matmul %get3A_32, %get3A_26, %dot_general3A_33 {dimension_numbers = #tpu.dot_dimension_numbers<[1], [1], [0], [0], [0, 0, 1, 0], [], []>, precision = #tpu.contract_precision<fp32>, transpose_lhs_hint = false} : vector<64x128xf32>, vector<256x128xf32>, vector<64x256xf32> -> vector<64x256xf32>
    %mul3A_35 = arith.mulf %get3A_32, %get3A_32 : vector<64x128xf32>
    %reduce_sum3A_36 = arith.constant dense<0.000000e+00> : vector<64xf32>
    %reduce_sum3A_37 = vector.multi_reduction <add>, %mul3A_35, %reduce_sum3A_36 [1] : vector<64x128xf32> to vector<64xf32>
    %broadcast_in_dim3A_38 = vector.shape_cast %reduce_sum3A_37 : vector<64xf32> to vector<64x1xf32>
    %add3A = vector.broadcast %broadcast_in_dim3A_38 : vector<64x1xf32> to vector<64x256xf32>
    %add3A_39 = vector.broadcast %broadcast_in_dim3A_29 : vector<1x256xf32> to vector<64x256xf32>
    %add3A_40 = arith.addf %add3A, %add3A_39 : vector<64x256xf32>
    %mul3A_41 = arith.constant 2.000000e+00 : f32
    %mul3A_42 = vector.broadcast %mul3A_41 : f32 to vector<64x256xf32>
    %mul3A_43 = arith.mulf %mul3A_42, %dot_general3A_34 : vector<64x256xf32>
    %sub3A = arith.subf %add3A_40, %mul3A_43 : vector<64x256xf32>
    %max3A = arith.constant 0.000000e+00 : f32
    %max3A_44 = vector.broadcast %max3A : f32 to vector<64x256xf32>
    %max3A_45 = arith.maximumf %sub3A, %max3A_44 : vector<64x256xf32>
    %add3A_46 = arith.constant 9.99999996E-13 : f32
    %add3A_47 = vector.broadcast %add3A_46 : f32 to vector<64x256xf32>
    %add3A_48 = arith.addf %max3A_45, %add3A_47 : vector<64x256xf32>
    %sqrt3A_49 = math.sqrt %add3A_48 : vector<64x256xf32>
    %sqrt3A_50 = math.sqrt %broadcast_in_dim3A_38 : vector<64x1xf32>
    %mul3A_51 = vector.broadcast %sqrt3A_50 : vector<64x1xf32> to vector<64x256xf32>
    %mul3A_52 = vector.broadcast %sqrt3A : vector<1x256xf32> to vector<64x256xf32>
    %mul3A_53 = arith.mulf %mul3A_51, %mul3A_52 : vector<64x256xf32>
    %div3A_54 = arith.divf %dot_general3A_34, %mul3A_53 : vector<64x256xf32>
    %mul3A_55 = arith.mulf %div3A_54, %sqrt3A_49 : vector<64x256xf32>
    %sub3A_56 = arith.constant 1.000000e+00 : f32
    %sub3A_57 = vector.broadcast %sub3A_56 : f32 to vector<64x256xf32>
    %sub3A_58 = arith.subf %sub3A_57, %div3A_54 : vector<64x256xf32>
    %sub3A_59 = arith.constant 4.200000e+00 : f32
    %sub3A_60 = vector.broadcast %sub3A_59 : f32 to vector<64x256xf32>
    %sub3A_61 = arith.subf %sub3A_60, %sqrt3A_49 : vector<64x256xf32>
    %max3A_62 = arith.constant 0.000000e+00 : f32
    %max3A_63 = vector.broadcast %max3A_62 : f32 to vector<64x256xf32>
    %max3A_64 = arith.maximumf %sub3A_61, %max3A_63 : vector<64x256xf32>
    %mul3A_65 = arith.mulf %sub3A_58, %max3A_64 : vector<64x256xf32>
    %add3A_66 = arith.addf %mul3A_55, %mul3A_65 : vector<64x256xf32>
    %abs3A = math.absf %add3A_66 : vector<64x256xf32>
    %reduce_sum3A_67 = vector.shape_cast %abs3A : vector<64x256xf32> to vector<1x64x256xf32>
    %reduce_sum3A_68 = arith.constant dense<0.000000e+00> : vector<1xf32>
    %reduce_sum3A_69 = vector.multi_reduction <add>, %reduce_sum3A_67, %reduce_sum3A_68 [1, 2] : vector<1x64x256xf32> to vector<1xf32>
    %reduce_sum3A_70 = vector.shape_cast %reduce_sum3A_69 : vector<1xf32> to vector<1x1x1xf32>
    %reduce_sum3A_71 = vector.extract %reduce_sum3A_70[0, 0, 0] : f32 from vector<1x1x1xf32>
    %reshape3A = vector.broadcast %reduce_sum3A_71 : f32 to vector<1x1xf32>
    %eq3A = arith.constant 0 : i32
    %eq3A_72 = arith.cmpi eq, %arg0, %eq3A : i32
    %convert_element_type3A = arith.extui %eq3A_72 : i1 to i32
    %cond3A = arith.constant 0 : i32
    %cond3A_73 = arith.cmpi ne, %convert_element_type3A, %cond3A : i32
    scf.if %cond3A_73 {
      %swap3A_80 = arith.constant 0 : index
      %swap3A_81 = arith.constant 0 : index
      %swap3A_82 = vector.load %arg8[%swap3A_80, %swap3A_81] : memref<1x1xf32, #tpu.memory_space<vmem>>, vector<1x1xf32>
      tpu.vector_store %arg8[%swap3A_80, %swap3A_81], %reshape3A {strides = array<i32>} : memref<1x1xf32, #tpu.memory_space<vmem>>, vector<1x1xf32>,
      %reduce_sum3A_83 = arith.constant dense<0.000000e+00> : vector<256xf32>
      %reduce_sum3A_84 = vector.multi_reduction <add>, %get3A_26, %reduce_sum3A_83 [1] : vector<256x128xf32> to vector<256xf32>
      %broadcast_in_dim3A_85 = vector.shape_cast %reduce_sum3A_84 : vector<256xf32> to vector<1x256xf32>
      %mul3A_86 = arith.mulf %get3A_1, %broadcast_in_dim3A_85 : vector<1x256xf32>
      %reduce_sum3A_87 = vector.shape_cast %mul3A_86 : vector<1x256xf32> to vector<1x1x256xf32>
      %reduce_sum3A_88 = arith.constant dense<0.000000e+00> : vector<1xf32>
      %reduce_sum3A_89 = vector.multi_reduction <add>, %reduce_sum3A_87, %reduce_sum3A_88 [1, 2] : vector<1x1x256xf32> to vector<1xf32>
      %reduce_sum3A_90 = vector.shape_cast %reduce_sum3A_89 : vector<1xf32> to vector<1x1x1xf32>
      %reduce_sum3A_91 = vector.extract %reduce_sum3A_90[0, 0, 0] : f32 from vector<1x1x1xf32>
      %reshape3A_92 = vector.broadcast %reduce_sum3A_91 : f32 to vector<1x1xf32>
      %swap3A_93 = arith.constant 0 : index
      %swap3A_94 = arith.constant 0 : index
      %swap3A_95 = vector.load %arg9[%swap3A_93, %swap3A_94] : memref<1x1xf32, #tpu.memory_space<vmem>>, vector<1x1xf32>
      tpu.vector_store %arg9[%swap3A_93, %swap3A_94], %reshape3A_92 {strides = array<i32>} : memref<1x1xf32, #tpu.memory_space<vmem>>, vector<1x1xf32>,
    } else {
    }
    %gt3A_74 = arith.constant 0 : i32
    %gt3A_75 = arith.cmpi sgt, %arg0, %gt3A_74 : i32
    %lt3A = arith.constant 4 : i32
    %lt3A_76 = arith.cmpi slt, %arg0, %lt3A : i32
    %and3A = arith.andi %gt3A_75, %lt3A_76 : i1
    %convert_element_type3A_77 = arith.extui %and3A : i1 to i32
    %cond3A_78 = arith.constant 0 : i32
    %cond3A_79 = arith.cmpi ne, %convert_element_type3A_77, %cond3A_78 : i32
    scf.if %cond3A_79 {
      %get3A_80 = arith.constant 0 : index
      %get3A_81 = arith.constant 0 : index
      %get3A_82 = vector.load %arg8[%get3A_80, %get3A_81] : memref<1x1xf32, #tpu.memory_space<vmem>>, vector<1x1xf32>
      %add3A_83 = arith.addf %get3A_82, %reshape3A : vector<1x1xf32>
      %swap3A_84 = arith.constant 0 : index
      %swap3A_85 = arith.constant 0 : index
      %swap3A_86 = vector.load %arg8[%swap3A_84, %swap3A_85] : memref<1x1xf32, #tpu.memory_space<vmem>>, vector<1x1xf32>
      tpu.vector_store %arg8[%swap3A_84, %swap3A_85], %add3A_83 {strides = array<i32>} : memref<1x1xf32, #tpu.memory_space<vmem>>, vector<1x1xf32>,
    } else {
    }
    return
  }
  func.func @transform_0(%arg0: i32) -> (i32, i32) {
    %c0_i32 = arith.constant 0 : i32
    %c0_i32_0 = arith.constant 0 : i32
    return %arg0, %c0_i32 : i32, i32
  }
  func.func @transform_1(%arg0: i32) -> (i32, i32) {
    %c0_i32 = arith.constant 0 : i32
    %c0_i32_0 = arith.constant 0 : i32
    %c0_i32_1 = arith.constant 0 : i32
    return %c0_i32, %c0_i32_0 : i32, i32
  }
  func.func @transform_2(%arg0: i32) -> (i32, i32) {
    %c0_i32 = arith.constant 0 : i32
    %c0_i32_0 = arith.constant 0 : i32
    %c0_i32_1 = arith.constant 0 : i32
    return %c0_i32, %c0_i32_0 : i32, i32
  }
  func.func @transform_3(%arg0: i32) -> (i32, i32) {
    %c0_i32 = arith.constant 0 : i32
    %c0_i32_0 = arith.constant 0 : i32
    return %arg0, %c0_i32 : i32, i32
  }
  func.func @transform_4(%arg0: i32) -> (i32, i32) {
    %c0_i32 = arith.constant 0 : i32
    %c0_i32_0 = arith.constant 0 : i32
    %c0_i32_1 = arith.constant 0 : i32
    return %c0_i32, %c0_i32_0 : i32, i32
  }
  func.func @transform_5(%arg0: i32) -> (i32, i32) {
    %min3A = arith.constant 3 : i32
    %min3A_0 = arith.minsi %arg0, %min3A : i32
    %c0_i32 = arith.constant 0 : i32
    %c0_i32_1 = arith.constant 0 : i32
    return %min3A_0, %c0_i32 : i32, i32
  }
  func.func @transform_6(%arg0: i32) -> (i32, i32, i32) {
    %c0_i32 = arith.constant 0 : i32
    %c0_i32_0 = arith.constant 0 : i32
    %c0_i32_1 = arith.constant 0 : i32
    return %c0_i32, %arg0, %c0_i32_0 : i32, i32, i32
  }
  func.func @transform_7(%arg0: i32) -> (i32, i32) {
    %c0_i32 = arith.constant 0 : i32
    %c0_i32_0 = arith.constant 0 : i32
    %c0_i32_1 = arith.constant 0 : i32
    return %c0_i32, %c0_i32_0 : i32, i32
  }
  func.func @transform_8(%arg0: i32) -> (i32, i32) {
    %c0_i32 = arith.constant 0 : i32
    %c0_i32_0 = arith.constant 0 : i32
    %c0_i32_1 = arith.constant 0 : i32
    return %c0_i32, %c0_i32_0 : i32, i32
  }
}

</mosaic_0001>

<sc_bundles>
// kernel: kernel.6.cloned.1.call-start
scs
__scs_entry_jumppad:
0x0: {  	(pc) =	sbr.rel $0x88, $3  }
0x1: {  	(tag) =	ssettag $0x0;
	lr =	simm.s32 $0x1  }
0x2: {  	[smem:$0x3F9D] =	sst lr;
	_ =	strace $0xD0000000  }
0x3: {  	_ = 	snop  }
0x4: {  	_ = 	snop  }
0x5: {  	_ = 	snop  }
0x6: {  	_ = 	snop  }
0x7: {  	_ = 	snop  }
__scs_overlays_trampoline_lowered:
0x8: {  	[smem:$0x3FAC] =	sst s0  }
0x9: {  	[smem:$0x3FAD] =	sst s1  }
0xa: {  	[smem:$0x3FAE] =	sst s2  }
0xb: {  	[smem:$0x3FAF] =	sst s3  }
0xc: {  	[smem:$0x3FB0] =	sst s4  }
0xd: {  	[smem:$0x3FB1] =	sst s5  }
0xe: {  	[smem:$0x3FB2] =	sst s6  }
0xf: {  	[smem:$0x3FB3] =	sst s7  }
0x10: {  	[smem:$0x3FB4] =	sst s8  }
0x11: {  	[smem:$0x3FB5] =	sst s9;
	s0 =	simm.s32 @!p0 $0x0  }
0x12: {  	s1 =	sld [smem:$0x3F9B];
	s0 =	simm.s32 @p0 $0x1  }
0x13: {  	[smem:$0x3FB6] =	sst s0;
	s0 =	simm.s32 @!p1 $0x0  }
0x14: {  	s2 =	sld [smem:$0x3F9A];
	s0 =	simm.s32 @p1 $0x1  }
0x15: {  	[smem:$0x3FB7] =	sst s0;
	s0 =	simm.s32 @!p2 $0x0  }
0x16: {  	s3 =	sld [smem:$0x3FDB];
	s0 =	simm.s32 @p2 $0x1  }
0x17: {  	s4 =	simm.s32 $0x1BF5;
	[smem:$0x3FB9] =	sst s0  }
0x18: {  	s0 =	sld [smem:$0x3F9C];
	_ =	swait.ge [sflag:s4], $0x0  }
0x19: {  	s7 =	sld [smem:$0x3F9D]  }
0x1a: {  	s8 =	sadd.s32 $0xFFFFE003, lr  }
0x1b: {  	s9 =	sadd.s32 $0xFFFFFEF7, lr;
	s5 =	simm.s32 $0xFFFFFFFF;
	p2 =	slt.u32 s8, $0xFFFFF086  }
0x1c: {  	p1 =	slt.u32 s9, $0xF7A;
	s5 =	simm.s32 @!p2 $0x0  }
0x1d: {  	s5 =	simm.s32 @p1 $0x1;
	p0 =	seq.s32 s7, s2  }
0x1e: {  	s7 =	smul.u32 @!p0 $0xF7A, s2;
	p2 =	seq.s32 @!p0 s5, $0x0  }
0x1f: {  	s9 =	smul.u32 $0xF7A, s1;
	s8 =	simm.s32 @!p0 $0x1BF5;
	p2 =	por !p2, p0  }
0x20: {  	[sflag:s8] =	ssyncset.s32 @!p0 $0xFFFFF086;
	s6 =	sadd.s32 @!p0 s3, s7;
	s7 =	simm.s32 @!p0 $0x108  }
0x21: {  	s3 =	sadd.s32 s3, s9;
	s6 =	sadd.s32 @!p0 $0x88, s6;
	s7 =	simm.s32 @p2 $0x1082  }
0x22: {  	[simem:s7], [sflag:s8] =	dma.local @!p0 [hbm:s6], $0xF7A  }
0x23: {  	s9 =	sor.u32 $0xD0000000, s2;
	s6 =	simm.s32 $0x108;
	_ =	swait.ge @!p0 [sflag:s8], $0x0  }
0x24: {  	s3 =	sadd.s32 $0x88, s3;
	s6 =	simm.s32 @!p1 $0x1082;
	[sflag:s4] =	ssyncset.s32 $0xFFFFF086  }
0x25: {  	[simem:s6], [sflag:s4] =	dma.local [hbm:s3], $0xF7A  }
0x26: {  	[smem:$0x3F9D] =	sst s1;
	(tag) =	ssettag s2;
	_ =	strace s9  }
0x27: {  	s1 =	sld [smem:$0x3FAD]  }
0x28: {  	s2 =	sld [smem:$0x3FAE]  }
0x29: {  	s4 =	sld [smem:$0x3FB0]  }
0x2a: {  	p0 =	seq.s32 s5, $0x0;
	s5 =	sld [smem:$0x3FB1]  }
0x2b: {  	s6 =	sld [smem:$0x3FB2]  }
0x2c: {  	s7 =	sld [smem:$0x3FB3]  }
0x2d: {  	s3 =	simm.s32 $0x108;
	s8 =	sld [smem:$0x3FB4]  }
0x2e: {  	s3 =	simm.s32 @!p0 $0x1082;
	s9 =	sld [smem:$0x3FB5]  }
0x2f: {  	lr =	sadd.s32 s0, s3;
	s0 =	sld [smem:$0x3FAC]  }
0x30: {  	s3 =	sld [smem:$0x3FAF]  }
0x31: {  	[smem:$0x3FB8] =	sst s10  }
0x32: {  	s10 =	sld [smem:$0x3FB6];
	_ =	sdelay $0x3  }
0x33: {  	p0 =	seq.s32 s10, $0x1;
	s10 =	sld [smem:$0x3FB8];
	_ =	sdelay $0x3  }
0x34: {  	[smem:$0x3FB8] =	sst s10  }
0x35: {  	s10 =	sld [smem:$0x3FB7];
	_ =	sdelay $0x3  }
0x36: {  	p1 =	seq.s32 s10, $0x1;
	s10 =	sld [smem:$0x3FB8];
	_ =	sdelay $0x3  }
0x37: {  	[smem:$0x3FB8] =	sst s10  }
0x38: {  	s10 =	sld [smem:$0x3FB9]  }
0x39: {  	_ = 	snop;
	(pc) =	sbr.ind lr, $3  }
0x3a: {  	_ = 	snop  }
0x3b: {  	_ = 	snop  }
0x3c: {  	p2 =	seq.s32 s10, $0x1;
	s10 =	sld [smem:$0x3FB8]  }
0x3d: {  	_ =	shalt  }
0x3e: {  	_ =	shalt  }
0x3f: {  	_ =	shalt  }
0x40: {  	_ =	shalt  }
0x41: {  	_ =	shalt  }
0x42: {  	_ =	shalt  }
0x43: {  	_ =	shalt  }
0x44: {  	_ =	shalt  }
0x45: {  	_ =	shalt  }
0x46: {  	_ =	shalt  }
0x47: {  	_ =	shalt  }
0x48: {  	_ =	shalt  }
0x49: {  	_ =	shalt  }
0x4a: {  	_ =	shalt  }
0x4b: {  	_ =	shalt  }
0x4c: {  	_ =	shalt  }
0x4d: {  	_ =	shalt  }
0x4e: {  	_ =	shalt  }
0x4f: {  	_ =	shalt  }
0x50: {  	_ =	shalt  }
0x51: {  	_ =	shalt  }
0x52: {  	_ =	shalt  }
0x53: {  	_ =	shalt  }
0x54: {  	_ =	shalt  }
0x55: {  	_ =	shalt  }
0x56: {  	_ =	shalt  }
0x57: {  	_ =	shalt  }
0x58: {  	_ =	shalt  }
0x59: {  	_ =	shalt  }
0x5a: {  	_ =	shalt  }
0x5b: {  	_ =	shalt  }
0x5c: {  	_ =	shalt  }
0x5d: {  	_ =	shalt  }
0x5e: {  	_ =	shalt  }
0x5f: {  	_ =	shalt  }
0x60: {  	_ =	shalt  }
0x61: {  	_ =	shalt  }
0x62: {  	_ =	shalt  }
0x63: {  	_ =	shalt  }
0x64: {  	_ =	shalt  }
0x65: {  	_ =	shalt  }
0x66: {  	_ =	shalt  }
0x67: {  	_ =	shalt  }
0x68: {  	_ =	shalt  }
0x69: {  	_ =	shalt  }
0x6a: {  	_ =	shalt  }
0x6b: {  	_ =	shalt  }
0x6c: {  	_ =	shalt  }
0x6d: {  	_ =	shalt  }
0x6e: {  	_ =	shalt  }
0x6f: {  	_ =	shalt  }
0x70: {  	_ =	shalt  }
0x71: {  	_ =	shalt  }
0x72: {  	_ =	shalt  }
0x73: {  	_ =	shalt  }
0x74: {  	_ =	shalt  }
0x75: {  	_ =	shalt  }
0x76: {  	_ =	shalt  }
0x77: {  	_ =	shalt  }
0x78: {  	_ =	shalt  }
0x79: {  	_ =	shalt  }
0x7a: {  	_ =	shalt  }
0x7b: {  	_ =	shalt  }
0x7c: {  	_ =	shalt  }
0x7d: {  	_ =	shalt  }
0x7e: {  	_ =	shalt  }
0x7f: {  	_ =	shalt  }
0x80: {  	_ =	shalt  }
0x81: {  	_ =	shalt  }
0x82: {  	_ =	shalt  }
0x83: {  	_ =	shalt  }
0x84: {  	_ =	shalt  }
0x85: {  	_ =	shalt  }
0x86: {  	_ =	shalt  }
0x87: {  	_ =	shalt  }
.Lfunc_end0:
.L_simem_size_0:
called_computation_lowered:
.L_overlay_start_0:
0x88: {  	s2 =	sld [smem:$0x3FD9]  }
0x89: {  	s3 =	sld [smem:$0x3FFE];
	_ =	sdelay $0x1  }
0x8a: {  	s1 =	srdreg.scid  }
0x8b: {  	s0 =	sand.u32 $0x1, s1  }
0x8c: {  	s14 =	sshll.u32 s0, $0xA;
	s2 =	sadd.s32 s3, s2  }
0x8d: {  	s2 =	sadd.s32 s2, s14  }
0x8e: {  	[smem:$0x3FC4] =	sst s2  }
0x8f: {  	_ = 	snop  }
0x90: {  	s2 =	sld [smem:$0x3FD0];
	_ =	sdelay $0x2  }
0x91: {  	s15 =	simm.s32 $0xA;
	s4 =	simm.s32 $0x10  }
0x92: {  	[smem:s4], [sflag:s15] =	dma.local [hbm:s2], $0x1  }
0x93: {  	_ =	swait.eq [sflag:s15], $0x1  }
0x94: {  	[sflag:s15] =	ssyncset.done $0x0  }
0x95: {  	[sflag:s15] =	ssyncadd.s32 $0xFFFFFFFF  }
0x96: {  	s16 =	sld [smem:$0x10];
	(tm) =	ssettm $0x1  }
0x97: {  	s17 =	sld [smem:$0x3FFB];
	_ =	sdelay $0x3  }
0x98: {  	_ =	strace s17  }
0x99: {  	s3 =	sld [smem:$0x3FFC];
	_ =	sdelay $0x3  }
0x9a: {  	_ =	strace s3  }
0x9b: {  	s3 =	sld [smem:$0x3FFD];
	_ =	sdelay $0x3  }
0x9c: {  	_ =	strace s3  }
0x9d: {  	_ =	strace $0x8FFFFFFF  }
0x9e: {  	s18 =	sld [smem:$0x3FDB];
	_ =	sdelay $0x1  }
0x9f: {  	s19 =	simm.s32 $_scs_section_size  }
0xa0: {  	s5 =	simm.s32 $_size__tile_overlayer_lowered;
	s6 =	simm.s32 $_tile_overlayer_lowered  }
0xa1: {  	s22 =	simm.s32 $0x1BFF;
	s21 =	sshll.u32 s6, $0x1;
	s3 =	sadd.s32 s19, s18  }
0xa2: {  	s7 =	simm.s32 $0x0;
	s20 =	sshll.u32 s5, $0x1;
	s5 =	sadd.s32 s21, s3  }
0xa3: {  	[timem:s7], [sflag:s22] =	dma.local [hbm:s5], s20  }
0xa4: {  	_ =	swait.ge [sflag:s22], s20  }
0xa5: {  	s4 =	ssub.s32 $0x0, s20;
	[sflag:s22] =	ssyncset.done $0x0  }
0xa6: {  	[sflag:s22] =	ssyncadd.s32 s4;
	_ =	sdelay $0x1  }
0xa7: {  	s23 =	simm.s32 $0x1B8B  }
0xa8: {  	_ =	swait.ge [sflag:s23], $0x1  }
0xa9: {  	[sflag:s23] =	ssyncset.done $0x0  }
0xaa: {  	s25 =	simm.s32 $0x1B8E;
	s24 =	sld [smem:$0x3FFE];
	[sflag:s23] =	ssyncadd.s32 $0xFFFFFFFF  }
0xab: {  	s26 =	simm.s32 $execute0_lowered;
	[smem:$0x3FD2] =	sst s25  }
0xac: {  	s5 =	sshll.u32 s26, $0x1;
	_ =	strace $0x80000046;
	[dreg:$0x1] =	wrdreg $0xFFFFFFFF  }
0xad: {  	s28 =	simm.s32 $_size_execute0_lowered;
	s3 =	sadd.s32 s3, s5;
	[dreg:$0x0] =	wrdreg $0x0  }
0xae: {  	s5 =	sshll.u32 s28, $0x1;
	[dreg:$0x2] =	wrdreg s3  }
0xaf: {  	[dreg:$0x3] =	wrdreg s5  }
0xb0: {  	[dreg:$0x4] =	wrdreg $0xC0  }
0xb1: {  	_ =	task [dreg:s7], $0x5FFFF  }
0xb2: {  	[dreg:$0x1] =	wrdreg $0xFFFFFFFF  }
0xb3: {  	[dreg:$0x0] =	wrdreg $0x60  }
0xb4: {  	[dreg:$0x2] =	wrdreg s24  }
0xb5: {  	[dreg:$0x3] =	wrdreg s16  }
0xb6: {  	[dreg:$0x4] =	wrdreg $0x78800  }
0xb7: {  	[dreg:$0x5] =	wrdreg $0x9  }
0xb8: {  	_ =	task.clear_ibuf [dreg:s7], $0x6FFFF;
	_ =	strace $0x90000046  }
0xb9: {  	s29 =	simm.s32 $0x9;
	_ =	strace $0x80000048  }
0xba: {  	_ =	swait.ge [sflag:s29], $0x1  }
0xbb: {  	[sflag:s29] =	ssyncadd.s32 $0xFFFFFFFF  }
0xbc: {  	_ =	strace $0x90000048  }
0xbd: {  	_ =	sfence  }
0xbe: {  	s30 =	sld [smem:$0x0];
	_ =	sdelay $0x2  }
0xbf: {  	s31 =	sshll.u32 s1, $0xD;
	s1 =	sshrl.u32 s1, $0x2  }
0xc0: {  	s3 =	sand.u32 $0x4000, s31;
	s1 =	sadd.s32 s1, s30  }
0xc1: {  	s0 =	sor.u32 s3, s0;
	s1 =	sshll.u32 s1, $0x11  }
0xc2: {  	s0 =	sor.u32 s1, s0  }
0xc3: {  	s0 =	sadd.s32 $0x8F2B, s0  }
0xc4: {  	[sflag:s0] =	ssyncadd.remote.s32 $0x1  }
0xc5: {  	_ =	sfence.sel $0xFFFF  }
0xc6: {  	[dreg:$0x0] =	wrdreg $0xFFFFFFFF;
	(pc) =	sbr.abs _section_cstart, $3  }
0xc7: {  	[dreg:$0x1] =	wrdreg $0xFFFFFFFF  }
0xc8: {  	_ =	task.clear_ibuf [dreg:s7], $0x2FFFF;
	_ =	strace $0x9FFFFFFF  }
0xc9: {  	(tm) =	ssettm $0x7FFFFFFF  }
tec
execute0_lowered:
.L_overlay_start_1:
0x0: {  	(tag) =	ssettag $0x1  }
0x1: {  	s4 =	rddreg [dreg:$0x0]  }
0x2: {  	s6 =	rddreg [dreg:$0x1];
	s0 =	stileid.u32  }
0x3: {  	s1 =	srdreg.scid;
	s2 =	rddreg [dreg:$0x2];
	s3 =	simm.s32 $0x0  }
0x4: {  	s16 =	simm.s32 $0x7800;
	s17 =	simm.s32 $0x3;
	s7 =	smul.u32 $0x13880, s0  }
0x5: {  	s5 =	sand.u32 $0x1, s1;
	s1 =	rddreg [dreg:$0x3];
	s9 =	smul.u32 $0x4E2, s0  }
0x6: {  	s18 =	simm.s32 $0x0;
	[smem:$0x7FF] =	sst s3;
	s8 =	smul.u32 $0x138800, s5  }
0x7: {  	_ =	strace $0x80000047;
	s10 =	ssub.s32 $0x2, s5;
	s13 =	smul.u32 $0x1388, s5  }
0x8: {  	s9 =	sadd.s32 s9, s4;
	s11 =	sshrl.u32 s10, $0x1;
	s31 =	sshrl.u32 s7, $0x3  }
0x9: {  	s14 =	sadd.s32 s7, s2;
	s8 =	sadd.s32 s7, s8;
	s10 =	ssub.s32 s10, s11  }
0xa: {  	s5 =	sadd.s32 $0x1000, s9;
	s6 =	sadd.s32 s6, s31;
	s7 =	sshll.u32 s0, $0x6  }
0xb: {  	s15 =	sadd.s32 $0x1388, s13;
	s11 =	simm.s32 $0x2800;
	v0 =	vmov s13;
	s13 =	simm.s32 $0x2  }
0xc: {  	s8 =	sshrl.u32 s8, $0x3;
	s10 =	smax.u32 s10, $0x1;
	v1 =	vmov s15;
	s15 =	simm.s32 $0x80  }
0xd: {  	s12 =	sadd.s32 s8, s4;
	s4 =	sadd.s32 $0x6000, s9;
	s8 =	sor.u32 $0x1C01, s7  }
0xe: {  	v2 =	vimm.f32 $1.000000000e+00;
	v3 =	vimm.s32 $0xFFFFFFFF;
	v4 =	vlaneseq.u32;
	s9 =	sadd.s32 $0xB000, s12;
	s12 =	sshrl.u32 s14, $0x3;
	s14 =	simm.s32 $0x1  }
.LBB2_1:
0xf: {  	[tilespmem:s3], [sflag:$0x2] =	stream.linear.gather [hbm4b:s4+s3], $0x2710, $0x38;
	[tilespmem:$0x1B180] =	vst v63  }
0x10: {  	_ = 	snop  }
0x11: {  	[tilespmem:s11], [sflag:$0x2] =	stream.linear.gather [hbm4b:s5+s3], $0x2710, $0x38;
	[tilespmem:$0x1B180] =	vst v63  }
0x12: {  	[tilespmem:$0x7800] =	vst v2  }
0x13: {  	[tilespmem:$0x7810] =	vst v2  }
0x14: {  	[tilespmem:$0x7820] =	vst v2  }
0x15: {  	[tilespmem:$0x7830] =	vst v2  }
0x16: {  	[tilespmem:$0x7840] =	vst v2  }
0x17: {  	[tilespmem:$0x7850] =	vst v2  }
0x18: {  	[tilespmem:$0x7860] =	vst v2  }
0x19: {  	[tilespmem:$0x7870] =	vst v2  }
0x1a: {  	[spmem:s12], [sflag:s8] =	dma.local [hbm:s6], $0x2710  }
0x1b: {  	_ =	swait.ge [sflag:s13], $0x2710  }
0x1c: {  	[sflag:s13] =	ssyncset.done $0x0  }
0x1d: {  	[sflag:s13] =	ssyncadd.s32 $0xFFFFD8F0  }
0x1e: {  	_ =	swait.ge [sflag:s13], $0x2710  }
0x1f: {  	[sflag:s13] =	ssyncset.done $0x0  }
0x20: {  	[sflag:s13] =	ssyncadd.s32 $0xFFFFD8F0  }
0x21: {  	[tilespmem:$0x2710] =	vst v3  }
0x22: {  	[tilespmem:$0x2720] =	vst v3  }
0x23: {  	[tilespmem:$0x2730] =	vst v3  }
0x24: {  	[tilespmem:$0x2740] =	vst v3  }
0x25: {  	[tilespmem:$0x2750] =	vst v3  }
0x26: {  	[tilespmem:$0x2760] =	vst v3  }
0x27: {  	[tilespmem:$0x2770] =	vst v3  }
0x28: {  	[tilespmem:$0x2780] =	vst v3  }
0x29: {  	[tilespmem:$0x2790] =	vst v3  }
0x2a: {  	[tilespmem:$0x27A0] =	vst v3  }
0x2b: {  	[tilespmem:$0x27B0] =	vst v3  }
0x2c: {  	[tilespmem:$0x27C0] =	vst v3  }
0x2d: {  	[tilespmem:$0x27D0] =	vst v3  }
0x2e: {  	[tilespmem:$0x27E0] =	vst v3  }
0x2f: {  	s19 =	simm.s32 $0x40;
	[tilespmem:$0x27F0] =	vst v3  }
0x30: {  	v5 =	vld [tilespmem:s19+$0xFFFFFFC0]  }
0x31: {  	s20 =	simm.s32 $0x2840  }
0x32: {  	v6 =	vld [tilespmem:s20+$0xFFFFFFC0]  }
0x33: {  	s21 =	simm.s32 $0x0  }
0x34: {  	v7 =	vor.u32 s21, v4  }
0x35: {  	v7 =	vand.u32 $0x78F, v7;
	v8 =	vsub.s32 v5, v0  }
0x36: {  	vm0 =	vge.s32 v5, v0;
	vm1 =	vlt.s32 v5, v1;
	v5 =	vshll.u32 v8, $0x8  }
0x37: {  	v7 =	vor.u32 $0x138800, v7;
	vm0 =	vmand vm0, vm1;
	v5 =	vadd.s32 v6, v5  }
0x38: {  	s21 =	simm.s32 $0x5040;
	v5 =	vsel vm0, v5, v7  }
0x39: {  	[tilespmem:s21+$0xFFFFFFC0] =	vst v5  }
0x3a: {  	v5 =	vld [tilespmem:s19+$0xFFFFFFD0];
	_ =	sdelay $0x1  }
0x3b: {  	v6 =	vld [tilespmem:s20+$0xFFFFFFD0]  }
0x3c: {  	s22 =	simm.s32 $0x10  }
0x3d: {  	v7 =	vor.u32 s22, v4  }
0x3e: {  	v7 =	vand.u32 $0x79F, v7;
	v8 =	vsub.s32 v5, v0  }
0x3f: {  	vm4 =	vge.s32 v5, v0;
	vm5 =	vlt.s32 v5, v1;
	v5 =	vshll.u32 v8, $0x8  }
0x40: {  	v7 =	vor.u32 $0x138800, v7;
	vm0 =	vmand vm4, vm5;
	v5 =	vadd.s32 v6, v5  }
0x41: {  	v5 =	vsel vm0, v5, v7  }
0x42: {  	[tilespmem:s21+$0xFFFFFFD0] =	vst v5  }
0x43: {  	v5 =	vld [tilespmem:s19+$0xFFFFFFE0];
	_ =	sdelay $0x1  }
0x44: {  	v6 =	vld [tilespmem:s20+$0xFFFFFFE0]  }
0x45: {  	s25 =	simm.s32 $0x20  }
0x46: {  	v7 =	vor.u32 s25, v4  }
0x47: {  	v7 =	vand.u32 $0x7AF, v7;
	v8 =	vsub.s32 v5, v0  }
0x48: {  	vm6 =	vge.s32 v5, v0;
	vm7 =	vlt.s32 v5, v1;
	v5 =	vshll.u32 v8, $0x8  }
0x49: {  	v7 =	vor.u32 $0x138800, v7;
	vm0 =	vmand vm6, vm7;
	v5 =	vadd.s32 v6, v5  }
0x4a: {  	v5 =	vsel vm0, v5, v7  }
0x4b: {  	[tilespmem:s21+$0xFFFFFFE0] =	vst v5  }
0x4c: {  	v5 =	vld [tilespmem:s19+$0xFFFFFFF0];
	_ =	sdelay $0x1  }
0x4d: {  	v6 =	vld [tilespmem:s20+$0xFFFFFFF0]  }
0x4e: {  	s26 =	simm.s32 $0x30  }
0x4f: {  	v7 =	vor.u32 s26, v4  }
0x50: {  	v7 =	vand.u32 $0x7BF, v7;
	v8 =	vsub.s32 v5, v0  }
0x51: {  	vm8 =	vge.s32 v5, v0;
	vm9 =	vlt.s32 v5, v1;
	v5 =	vshll.u32 v8, $0x8  }
0x52: {  	v7 =	vor.u32 $0x138800, v7;
	vm0 =	vmand vm8, vm9;
	v5 =	vadd.s32 v6, v5  }
0x53: {  	v5 =	vsel vm0, v5, v7  }
0x54: {  	[tilespmem:s21+$0xFFFFFFF0] =	vst v5  }
0x55: {  	v5 =	vld [tilespmem:s19+$0x0];
	_ =	sdelay $0x1  }
0x56: {  	v6 =	vld [tilespmem:s20+$0x0]  }
0x57: {  	s28 =	simm.s32 $0x40  }
0x58: {  	v7 =	vor.u32 s28, v4  }
0x59: {  	v7 =	vand.u32 $0x7CF, v7;
	v8 =	vsub.s32 v5, v0  }
0x5a: {  	vm10 =	vge.s32 v5, v0;
	vm11 =	vlt.s32 v5, v1;
	v5 =	vshll.u32 v8, $0x8  }
0x5b: {  	v7 =	vor.u32 $0x138800, v7;
	vm0 =	vmand vm10, vm11;
	v5 =	vadd.s32 v6, v5  }
0x5c: {  	v5 =	vsel vm0, v5, v7  }
0x5d: {  	[tilespmem:s21+$0x0] =	vst v5  }
0x5e: {  	v5 =	vld [tilespmem:s19+$0x10];
	_ =	sdelay $0x1  }
0x5f: {  	v6 =	vld [tilespmem:s20+$0x10]  }
0x60: {  	s29 =	simm.s32 $0x50  }
0x61: {  	v7 =	vor.u32 s29, v4  }
0x62: {  	v7 =	vand.u32 $0x7DF, v7;
	v8 =	vsub.s32 v5, v0  }
0x63: {  	vm12 =	vge.s32 v5, v0;
	vm13 =	vlt.s32 v5, v1;
	v5 =	vshll.u32 v8, $0x8  }
0x64: {  	v7 =	vor.u32 $0x138800, v7;
	vm0 =	vmand vm12, vm13;
	v5 =	vadd.s32 v6, v5  }
0x65: {  	v5 =	vsel vm0, v5, v7  }
0x66: {  	[tilespmem:s21+$0x10] =	vst v5  }
0x67: {  	v5 =	vld [tilespmem:s19+$0x20];
	_ =	sdelay $0x1  }
0x68: {  	v6 =	vld [tilespmem:s20+$0x20];
	_ =	sdelay $0x1  }
0x69: {  	s30 =	simm.s32 $0x60  }
0x6a: {  	v7 =	vor.u32 s30, v4;
	vm14 =	vge.s32 v5, v0;
	v8 =	vsub.s32 v5, v0  }
0x6b: {  	vm15 =	vlt.s32 v5, v1;
	v5 =	vand.u32 $0x7EF, v7;
	v7 =	vshll.u32 v8, $0x8  }
0x6c: {  	v5 =	vor.u32 $0x138800, v5;
	vm0 =	vmand vm14, vm15;
	v6 =	vadd.s32 v6, v7  }
0x6d: {  	v5 =	vsel vm0, v6, v5  }
0x6e: {  	[tilespmem:s21+$0x20] =	vst v5  }
0x6f: {  	v6 =	vld [tilespmem:s19+$0x30]  }
0x70: {  	s31 =	simm.s32 $0x70  }
0x71: {  	v7 =	vor.u32 s31, v4;
	v5 =	vld [tilespmem:s20+$0x30]  }
0x72: {  	s23 =	simm.s32 $0xF0;
	s22 =	simm.s32 $0x5040;
	v7 =	vand.u32 $0x7FF, v7  }
.LBB2_2:
0x73: {  	v7 =	vor.u32 $0x138800, v7;
	s21 =	sadd.s32 $0x80, s21;
	s20 =	sadd.s32 $0x80, s20;
	s19 =	sadd.s32 $0x80, s19  }
0x74: {  	p0 =	sne.s32 s23, $0x27F0;
	s24 =	smov.u32 s23;
	s23 =	sadd.s32 $0x80, s23;
	vm0 =	vge.s32 v6, v0;
	vm1 =	vlt.s32 v6, v1;
	v6 =	vsub.s32 v6, v0  }
0x75: {  	vm0 =	vmand vm0, vm1;
	v6 =	vshll.u32 v6, $0x8  }
0x76: {  	v5 =	vadd.s32 v5, v6  }
0x77: {  	v5 =	vsel vm0, v5, v7  }
0x78: {  	s25 =	sadd.s32 $0xFFFFFF90, s24;
	[tilespmem:s22+$0x30] =	vst v5;
	s22 =	smov.u32 s21  }
0x79: {  	v5 =	vld [tilespmem:s19+$0xFFFFFFC0]  }
0x7a: {  	v6 =	vor.u32 s25, v4  }
0x7b: {  	v6 =	vand.u32 $0x78F, v6;
	v7 =	vld [tilespmem:s20+$0xFFFFFFC0]  }
0x7c: {  	v6 =	vor.u32 $0x138800, v6;
	_ =	sdelay $0x1  }
0x7d: {  	vm0 =	vge.s32 v5, v0;
	vm1 =	vlt.s32 v5, v1;
	v5 =	vsub.s32 v5, v0  }
0x7e: {  	vm0 =	vmand vm0, vm1;
	v5 =	vshll.u32 v5, $0x8  }
0x7f: {  	v5 =	vadd.s32 v7, v5  }
0x80: {  	v5 =	vsel vm0, v5, v6  }
0x81: {  	[tilespmem:s21+$0xFFFFFFC0] =	vst v5  }
0x82: {  	s25 =	sadd.s32 $0xFFFFFFA0, s24;
	v5 =	vld [tilespmem:s19+$0xFFFFFFD0]  }
0x83: {  	v7 =	vor.u32 s25, v4;
	v6 =	vld [tilespmem:s20+$0xFFFFFFD0];
	_ =	sdelay $0x1  }
0x84: {  	v7 =	vand.u32 $0x79F, v7  }
0x85: {  	v7 =	vor.u32 $0x138800, v7  }
0x86: {  	vm0 =	vge.s32 v5, v0;
	vm1 =	vlt.s32 v5, v1;
	v5 =	vsub.s32 v5, v0  }
0x87: {  	vm0 =	vmand vm0, vm1;
	v5 =	vshll.u32 v5, $0x8  }
0x88: {  	v5 =	vadd.s32 v6, v5  }
0x89: {  	v5 =	vsel vm0, v5, v7  }
0x8a: {  	[tilespmem:s21+$0xFFFFFFD0] =	vst v5  }
0x8b: {  	v5 =	vld [tilespmem:s19+$0xFFFFFFE0]  }
0x8c: {  	s25 =	sadd.s32 $0xFFFFFFB0, s24  }
0x8d: {  	v6 =	vld [tilespmem:s20+$0xFFFFFFE0]  }
0x8e: {  	v7 =	vor.u32 s25, v4  }
0x8f: {  	v7 =	vand.u32 $0x7AF, v7  }
0x90: {  	vm0 =	vge.s32 v5, v0;
	vm1 =	vlt.s32 v5, v1;
	v5 =	vsub.s32 v5, v0  }
0x91: {  	vm0 =	vmand vm0, vm1;
	v5 =	vshll.u32 v5, $0x8  }
0x92: {  	v7 =	vor.u32 $0x138800, v7;
	v5 =	vadd.s32 v6, v5  }
0x93: {  	v5 =	vsel vm0, v5, v7  }
0x94: {  	[tilespmem:s21+$0xFFFFFFE0] =	vst v5  }
0x95: {  	v5 =	vld [tilespmem:s19+$0xFFFFFFF0]  }
0x96: {  	s25 =	sadd.s32 $0xFFFFFFC0, s24  }
0x97: {  	v7 =	vor.u32 s25, v4;
	v6 =	vld [tilespmem:s20+$0xFFFFFFF0]  }
0x98: {  	v7 =	vand.u32 $0x7BF, v7  }
0x99: {  	v7 =	vor.u32 $0x138800, v7  }
0x9a: {  	vm0 =	vge.s32 v5, v0;
	vm1 =	vlt.s32 v5, v1;
	v5 =	vsub.s32 v5, v0  }
0x9b: {  	vm0 =	vmand vm0, vm1;
	v5 =	vshll.u32 v5, $0x8  }
0x9c: {  	v5 =	vadd.s32 v6, v5  }
0x9d: {  	v5 =	vsel vm0, v5, v7  }
0x9e: {  	[tilespmem:s21+$0xFFFFFFF0] =	vst v5  }
0x9f: {  	v5 =	vld [tilespmem:s19+$0x0]  }
0xa0: {  	s25 =	sadd.s32 $0xFFFFFFD0, s24  }
0xa1: {  	v7 =	vor.u32 s25, v4;
	v6 =	vld [tilespmem:s20+$0x0]  }
0xa2: {  	v7 =	vand.u32 $0x7CF, v7  }
0xa3: {  	v7 =	vor.u32 $0x138800, v7  }
0xa4: {  	vm0 =	vge.s32 v5, v0;
	vm1 =	vlt.s32 v5, v1;
	v5 =	vsub.s32 v5, v0  }
0xa5: {  	vm0 =	vmand vm0, vm1;
	v5 =	vshll.u32 v5, $0x8  }
0xa6: {  	v5 =	vadd.s32 v6, v5  }
0xa7: {  	v5 =	vsel vm0, v5, v7  }
0xa8: {  	[tilespmem:s21+$0x0] =	vst v5  }
0xa9: {  	v5 =	vld [tilespmem:s19+$0x10]  }
0xaa: {  	s25 =	sadd.s32 $0xFFFFFFE0, s24;
	v6 =	vld [tilespmem:s20+$0x10]  }
0xab: {  	v7 =	vor.u32 s25, v4  }
0xac: {  	v7 =	vand.u32 $0x7DF, v7  }
0xad: {  	v7 =	vor.u32 $0x138800, v7  }
0xae: {  	vm0 =	vge.s32 v5, v0;
	vm1 =	vlt.s32 v5, v1;
	v5 =	vsub.s32 v5, v0  }
0xaf: {  	vm0 =	vmand vm0, vm1;
	v5 =	vshll.u32 v5, $0x8  }
0xb0: {  	v5 =	vadd.s32 v6, v5  }
0xb1: {  	v5 =	vsel vm0, v5, v7  }
0xb2: {  	[tilespmem:s21+$0x10] =	vst v5  }
0xb3: {  	v5 =	vld [tilespmem:s19+$0x20]  }
0xb4: {  	s25 =	sadd.s32 $0xFFFFFFF0, s24;
	v6 =	vld [tilespmem:s20+$0x20]  }
0xb5: {  	v7 =	vor.u32 s25, v4  }
0xb6: {  	v7 =	vand.u32 $0x7EF, v7  }
0xb7: {  	v7 =	vor.u32 $0x138800, v7  }
0xb8: {  	vm0 =	vge.s32 v5, v0;
	vm1 =	vlt.s32 v5, v1;
	v5 =	vsub.s32 v5, v0  }
0xb9: {  	vm0 =	vmand vm0, vm1;
	v5 =	vshll.u32 v5, $0x8  }
0xba: {  	v5 =	vadd.s32 v6, v5  }
0xbb: {  	v5 =	vsel vm0, v5, v7  }
.Ltmp0:
0xbc: {  	[tilespmem:s21+$0x20] =	vst v5;
	(pc) =	sbr.rel @p0 .LBB2_2-.Ltmp0, $4  }
0xbd: {  	v6 =	vld [tilespmem:s19+$0x30]  }
0xbe: {  	v5 =	vld [tilespmem:s20+$0x30]  }
0xbf: {  	v7 =	vor.u32 s24, v4  }
0xc0: {  	v7 =	vand.u32 $0x7FF, v7  }
0xc1: {  	_ = 	snop  }
0xc2: {  	v8 =	vsub.s32 v6, v0  }
0xc3: {  	vm0 =	vge.s32 v6, v0;
	vm1 =	vlt.s32 v6, v1;
	v6 =	vshll.u32 v8, $0x8  }
0xc4: {  	v7 =	vor.u32 $0x138800, v7;
	vm0 =	vmand vm0, vm1;
	v5 =	vadd.s32 v5, v6  }
0xc5: {  	v5 =	vsel vm0, v5, v7  }
0xc6: {  	[tilespmem:s22+$0x30] =	vst v5  }
0xc7: {  	_ =	swait.ge [sflag:s14], $0x2710  }
0xc8: {  	[sflag:s14] =	ssyncset.done $0x0  }
0xc9: {  	[sflag:s14] =	ssyncadd.s32 $0xFFFFD8F0  }
0xca: {  	s19 =	simm.s32 $0x0;
	[bflag:$0x0] =	sbarrier.arrive $0xFFFF  }
.LBB2_4:
0xcb: {  	p0 =	sne.s32 s19, $0x9E00  }
.Ltmp1:
0xcc: {  	_ = 	snop;
	(pc) =	sbr.rel @p0 .LBB2_4-.Ltmp1, $4  }
0xcd: {  	_ = 	snop  }
0xce: {  	s20 =	sshra.s32 s19, $0x2  }
0xcf: {  	s19 =	sadd.s32 $0x200, s19;
	s20 =	sadd.s32 $0x5000, s20  }
0xd0: {  	[spmem:s2] =	stream.indirect.scatter.add.f32 [tilespmem:s16], [sflag:$0x1], $0x1, s20, s15, $0xb8;
	[tilespmem:$0x1B180] =	vst v63  }
0xd1: {  	_ =	swait.ge [sflag:s14], $0x80  }
0xd2: {  	s19 =	simm.s32 $0x4F;
	[sflag:s14] =	ssyncset.done $0x0  }
.LBB2_6:
0xd3: {  	p0 =	sne.s32 s19, $0x1;
	s19 =	sadd.s32 $0xFFFFFFFF, s19;
	[sflag:s14] =	ssyncadd.s32 $0xFFFFFF80  }
.Ltmp2:
0xd4: {  	(pc) =	sbr.rel @p0 .LBB2_6-.Ltmp2, $3  }
0xd5: {  	_ =	sdelay $0x1  }
0xd6: {  	_ =	swait.ge [sflag:s14], $0x80  }
0xd7: {  	[sflag:s14] =	ssyncset.done $0x0  }
0xd8: {  	s18 =	sadd.s32 $0x1, s18  }
0xd9: {  	[sflag:s14] =	ssyncadd.s32 $0xFFFFFF80;
	p0 =	sne.s32 s18, s10  }
.Ltmp3:
0xda: {  	s19 =	sor.u32 $0x1C03, s7;
	[bflag:$0x0] =	sbarrier.arrive $0xFFFF;
	(pc) =	sbr.rel @p0 .LBB2_1-.Ltmp3, $4  }
0xdb: {  	[hbm:s9], [sflag:s19] =	dma.local [spmem:s12], $0x2710  }
0xdc: {  	_ =	swait.ge [sflag:s17], $0x2710  }
0xdd: {  	[sflag:s17] =	ssyncset.done $0x0  }
0xde: {  	[sflag:s17] =	ssyncadd.s32 $0xFFFFD8F0  }
0xdf: {  	_ =	sfence.sel $0x180000  }
0xe0: {  	[bflag:$0x0] =	sbarrier.arrive $0xFFFF  }
0xe1: {  	p0 =	sne.s32 s0, $0x0;
	_ =	strace $0x90000047  }
0xe2: {  	s0 =	sadd.s32 @!p0 $0x100000, s1;
	[bflag:$0x2] =	sbarrier.arrive $0xFFFF  }
0xe3: {  	[sflag:s0] =	ssyncadd.tile.s32 @!p0 $0x1;
	_ =	shalt  }
.Lfunc_end2:
_tile_overlayer_lowered:
.L_overlay_start_2:
0xe4: {  	(tag) =	ssettag $0x2  }
0xe5: {  	s0 =	rddreg [dreg:$0x0];
	s2 =	stileid.u32  }
0xe6: {  	s1 =	rddreg [dreg:$0x1];
	p0 =	sne.s32 s2, $0x0  }
0xe7: {  	s3 =	rddreg [dreg:$0x2];
	[bflag:$0x3] =	sbarrier.arrive $0xFFFF;
	s2 =	simm.s32 @!p0 $0x1C03  }
0xe8: {  	[timem:s3], [sflag:s2] =	dma.local @!p0 [hbm:s0], s1  }
0xe9: {  	s0 =	simm.s32 @!p0 $0x3  }
0xea: {  	_ =	swait.ge @!p0 [sflag:s0], s1  }
0xeb: {  	s1 =	ssub.s32 @!p0 $0x0, s1;
	[sflag:s0] =	ssyncset.done @!p0 $0x0  }
0xec: {  	[sflag:s0] =	ssyncadd.s32 @!p0 s1  }
0xed: {  	[bflag:$0x3] =	sbarrier.arrive $0xFFFF  }
0xee: {  	_ =	shalt  }

</sc_bundles>
